<compile_context>
chip_gen: v7x
topology: tpu7x:2x2x1
jax: 0.10.2.dev20260603
libtpu: 0.0.44.dev20260713+nightly
codegen_flags: <defaults>
</compile_context>

<pallas_src>
import functools

import jax
import jax.numpy as jnp
from jax import lax
from jax.experimental import pallas as pl
from jax.experimental.pallas import tpu as pltpu
from jax.experimental.pallas import tpu_sc as plsc

B = 4
T = 2048
D = 128
NP = 8
NW = 32
TCHUNK = T // NW
LANES = 16


def _emb_body(idx_hbm, wte_hbm, wpe_hbm, prompts_hbm, out_hbm,
              idx_v, rows_v, wpe_v, prompts_v, isem, gsem, ssem, wsem, psem):
    cid = lax.axis_index("c")
    sid = lax.axis_index("s")
    wid = sid * 2 + cid
    t0 = wid * TCHUNK

    icopies = [
        pltpu.async_copy(idx_hbm.at[b, pl.ds(t0, TCHUNK)], idx_v.at[b], isem)
        for b in range(B)
    ]
    wcopy = pltpu.async_copy(wpe_hbm.at[pl.ds(t0, TCHUNK)], wpe_v, wsem)
    is_prompt_worker = wid < B

    @pl.when(is_prompt_worker)
    def _():
        pltpu.async_copy(prompts_hbm, prompts_v, psem).wait()

    for c in icopies:
        c.wait()
    gcopies = [
        pltpu.async_copy(wte_hbm.at[idx_v.at[b]], rows_v.at[b], gsem)
        for b in range(B)
    ]

    @pl.when(is_prompt_worker)
    def _():
        pltpu.async_copy(prompts_v, out_hbm.at[wid, pl.ds(0, NP)],
                         ssem).wait()

    wcopy.wait()

    scopies = []
    for b in range(B):
        gcopies[b].wait()

        def add_row(i, _, b=b):
            for j in range(D // LANES):
                s = pl.ds(j * LANES, LANES)
                plsc.addupdate(rows_v.at[b, i, s], wpe_v[i, s])
            return _

        lax.fori_loop(0, TCHUNK, add_row, None)
        scopies.append(
            pltpu.async_copy(rows_v.at[b],
                             out_hbm.at[b, pl.ds(NP + t0, TCHUNK)], ssem))
    for c in scopies:
        c.wait()


@jax.jit
def kernel(idx, wte, wpe, reasoning_prompts):
    mesh = plsc.VectorSubcoreMesh(core_axis_name="c", subcore_axis_name="s")
    run = functools.partial(
        pl.kernel,
        out_type=jax.ShapeDtypeStruct((B, NP + T, D), jnp.float32),
        mesh=mesh,
        scratch_types=[
            pltpu.VMEM((B, TCHUNK), jnp.int32),
            pltpu.VMEM((B, TCHUNK, D), jnp.float32),
            pltpu.VMEM((TCHUNK, D), jnp.float32),
            pltpu.VMEM((NP, D), jnp.float32),
        ] + [pltpu.SemaphoreType.DMA] * 5,
    )(_emb_body)
    return run(idx.astype(jnp.int32), wte, wpe, reasoning_prompts)

# --- scband reference (transcript-rebuilt; emitter-appended) ---
"""Pipeline reference for scband-reasoning-embeddings-16939351016044 (READ-ONLY COPY).

The authoritative reference and input builder live on the scoring server;
editing this copy changes nothing except your own understanding.
"""

import jax, jax.numpy as jnp
import numpy as np

VOCAB = 100000
BLOCK = 2048
D = 128
B = 4
T = 2048
NP_ = 8

def setup_inputs(seed: int = 0) -> dict:
    key = jax.random.key(seed)
    k1, k2, k3, k4 = jax.random.split(key, 4)
    idx = jax.random.randint(k1, (B, T), 0, VOCAB, dtype=jnp.int64 if jax.config.jax_enable_x64 else jnp.int32)
    wte = jax.random.normal(k2, (VOCAB, D), dtype=jnp.float32) * 0.02
    wpe = jax.random.normal(k3, (BLOCK, D), dtype=jnp.float32) * 0.02
    reasoning_prompts = jax.random.normal(k4, (NP_, D), dtype=jnp.float32) * 0.02
    return {"idx": idx, "wte": wte, "wpe": wpe, "reasoning_prompts": reasoning_prompts}

def reference(idx, wte, wpe, reasoning_prompts):
    b, t = idx.shape
    pos = jnp.arange(0, t, dtype=jnp.int32)
    # token embedding gather + positional embedding gather
    x = jnp.take(wte, idx, axis=0) + jnp.take(wpe, pos, axis=0)[None, :, :]
    prompts = jnp.broadcast_to(reasoning_prompts[None, :, :], (b, reasoning_prompts.shape[0], reasoning_prompts.shape[1]))
    x = jnp.concatenate([prompts, x], axis=1)
    # dropout p=0.0 (eval / identity)
    return x

if __name__ == "__main__":
    import jax
    _d = setup_inputs()
    print(jax.jit(kernel)(*tuple(_d.values())))

</pallas_src>

<mosaic_0001>
#map = affine_map<(d0, d1) -> (0, 0)>
#map1 = affine_map<(d0, d1) -> (0, 0, 0)>
module attributes {stable_mosaic.version = 14 : i64} {
  func.func @_emb_body(%arg0: i32, %arg1: i32, %arg2: memref<4x2048xi32, #tpu.memory_space<hbm>>, %arg3: memref<100000x128xf32, #tpu.memory_space<hbm>>, %arg4: memref<2048x128xf32, #tpu.memory_space<hbm>>, %arg5: memref<8x128xf32, #tpu.memory_space<hbm>>, %arg6: memref<4x2056x128xf32, #tpu.memory_space<hbm>>, %arg7: memref<4x64xi32, #tpu.memory_space<vmem>>, %arg8: memref<4x64x128xf32, #tpu.memory_space<vmem>>, %arg9: memref<64x128xf32, #tpu.memory_space<vmem>>, %arg10: memref<8x128xf32, #tpu.memory_space<vmem>>, %arg11: memref<!tpu.dma_semaphore, #tpu.memory_space<semaphore_mem>>, %arg12: memref<!tpu.dma_semaphore, #tpu.memory_space<semaphore_mem>>, %arg13: memref<!tpu.dma_semaphore, #tpu.memory_space<semaphore_mem>>, %arg14: memref<!tpu.dma_semaphore, #tpu.memory_space<semaphore_mem>>, %arg15: memref<!tpu.dma_semaphore, #tpu.memory_space<semaphore_mem>>) attributes {dimension_semantics = [#tpu.dimension_semantics<core_parallel>, #tpu.dimension_semantics<subcore_parallel>], iteration_bounds = array<i64: 2, 16>, scalar_prefetch = 0 : i64, scratch_operands = 9 : i64, tpu.core_type = #tpu.core_type<sc_vector_subcore>, window_params = [{transform_indices = #map}, {transform_indices = #map}, {transform_indices = #map}, {transform_indices = #map}, {transform_indices = #map1}]} {
    %mul3A = arith.constant 2 : i32
    %mul3A_0 = arith.muli %arg1, %mul3A : i32
    %add3A = arith.addi %mul3A_0, %arg0 : i32
    %mul3A_1 = arith.constant 64 : i32
    %mul3A_2 = arith.muli %add3A, %mul3A_1 : i32
    %dma_start3A = arith.constant 0 : i32
    %dma_start3A_3 = arith.constant 0 : i32
    %dma_start3A_4 = arith.constant 0 : i32
    %dma_start3A_5 = tpu.memref_slice %arg7[%dma_start3A_3, %dma_start3A_4] : memref<4x64xi32, #tpu.memory_space<vmem>> -> memref<1x64xi32, #tpu.memory_space<vmem>>
    %dma_start3A_6 = tpu.memref_squeeze %dma_start3A_5 : memref<1x64xi32, #tpu.memory_space<vmem>> -> memref<64xi32, #tpu.memory_space<vmem>>
    %dma_start3A_7 = tpu.memref_slice %arg2[%dma_start3A, %mul3A_2] : memref<4x2048xi32, #tpu.memory_space<hbm>> -> memref<1x64xi32, #tpu.memory_space<hbm>>
    %dma_start3A_8 = tpu.memref_squeeze %dma_start3A_7 : memref<1x64xi32, #tpu.memory_space<hbm>> -> memref<64xi32, #tpu.memory_space<hbm>>
    %dma_start3A_9 = arith.constant 0 : i32
    %dma_start3A_10 = tpu.memref_slice %arg7[%dma_start3A_3, %dma_start3A_9] : memref<4x64xi32, #tpu.memory_space<vmem>> -> memref<1x64xi32, #tpu.memory_space<vmem>>
    %dma_start3A_11 = tpu.memref_squeeze %dma_start3A_10 : memref<1x64xi32, #tpu.memory_space<vmem>> -> memref<64xi32, #tpu.memory_space<vmem>>
    %dma_start3A_12 = tpu.memref_slice %arg2[%dma_start3A, %mul3A_2] : memref<4x2048xi32, #tpu.memory_space<hbm>> -> memref<1x64xi32, #tpu.memory_space<hbm>>
    %dma_start3A_13 = tpu.memref_squeeze %dma_start3A_12 : memref<1x64xi32, #tpu.memory_space<hbm>> -> memref<64xi32, #tpu.memory_space<hbm>>
    tpu.enqueue_dma source(%dma_start3A_13 : memref<64xi32, #tpu.memory_space<hbm>>) target(%dma_start3A_11 : memref<64xi32, #tpu.memory_space<vmem>>) target_semaphore(%arg11 : memref<!tpu.dma_semaphore, #tpu.memory_space<semaphore_mem>>)
    %dma_start3A_14 = arith.constant 1 : i32
    %dma_start3A_15 = arith.constant 1 : i32
    %dma_start3A_16 = arith.constant 0 : i32
    %dma_start3A_17 = tpu.memref_slice %arg7[%dma_start3A_15, %dma_start3A_16] : memref<4x64xi32, #tpu.memory_space<vmem>> -> memref<1x64xi32, #tpu.memory_space<vmem>>
    %dma_start3A_18 = tpu.memref_squeeze %dma_start3A_17 : memref<1x64xi32, #tpu.memory_space<vmem>> -> memref<64xi32, #tpu.memory_space<vmem>>
    %dma_start3A_19 = tpu.memref_slice %arg2[%dma_start3A_14, %mul3A_2] : memref<4x2048xi32, #tpu.memory_space<hbm>> -> memref<1x64xi32, #tpu.memory_space<hbm>>
    %dma_start3A_20 = tpu.memref_squeeze %dma_start3A_19 : memref<1x64xi32, #tpu.memory_space<hbm>> -> memref<64xi32, #tpu.memory_space<hbm>>
    %dma_start3A_21 = arith.constant 0 : i32
    %dma_start3A_22 = tpu.memref_slice %arg7[%dma_start3A_15, %dma_start3A_21] : memref<4x64xi32, #tpu.memory_space<vmem>> -> memref<1x64xi32, #tpu.memory_space<vmem>>
    %dma_start3A_23 = tpu.memref_squeeze %dma_start3A_22 : memref<1x64xi32, #tpu.memory_space<vmem>> -> memref<64xi32, #tpu.memory_space<vmem>>
    %dma_start3A_24 = tpu.memref_slice %arg2[%dma_start3A_14, %mul3A_2] : memref<4x2048xi32, #tpu.memory_space<hbm>> -> memref<1x64xi32, #tpu.memory_space<hbm>>
    %dma_start3A_25 = tpu.memref_squeeze %dma_start3A_24 : memref<1x64xi32, #tpu.memory_space<hbm>> -> memref<64xi32, #tpu.memory_space<hbm>>
    tpu.enqueue_dma source(%dma_start3A_25 : memref<64xi32, #tpu.memory_space<hbm>>) target(%dma_start3A_23 : memref<64xi32, #tpu.memory_space<vmem>>) target_semaphore(%arg11 : memref<!tpu.dma_semaphore, #tpu.memory_space<semaphore_mem>>)
    %dma_start3A_26 = arith.constant 2 : i32
    %dma_start3A_27 = arith.constant 2 : i32
    %dma_start3A_28 = arith.constant 0 : i32
    %dma_start3A_29 = tpu.memref_slice %arg7[%dma_start3A_27, %dma_start3A_28] : memref<4x64xi32, #tpu.memory_space<vmem>> -> memref<1x64xi32, #tpu.memory_space<vmem>>
    %dma_start3A_30 = tpu.memref_squeeze %dma_start3A_29 : memref<1x64xi32, #tpu.memory_space<vmem>> -> memref<64xi32, #tpu.memory_space<vmem>>
    %dma_start3A_31 = tpu.memref_slice %arg2[%dma_start3A_26, %mul3A_2] : memref<4x2048xi32, #tpu.memory_space<hbm>> -> memref<1x64xi32, #tpu.memory_space<hbm>>
    %dma_start3A_32 = tpu.memref_squeeze %dma_start3A_31 : memref<1x64xi32, #tpu.memory_space<hbm>> -> memref<64xi32, #tpu.memory_space<hbm>>
    %dma_start3A_33 = arith.constant 0 : i32
    %dma_start3A_34 = tpu.memref_slice %arg7[%dma_start3A_27, %dma_start3A_33] : memref<4x64xi32, #tpu.memory_space<vmem>> -> memref<1x64xi32, #tpu.memory_space<vmem>>
    %dma_start3A_35 = tpu.memref_squeeze %dma_start3A_34 : memref<1x64xi32, #tpu.memory_space<vmem>> -> memref<64xi32, #tpu.memory_space<vmem>>
    %dma_start3A_36 = tpu.memref_slice %arg2[%dma_start3A_26, %mul3A_2] : memref<4x2048xi32, #tpu.memory_space<hbm>> -> memref<1x64xi32, #tpu.memory_space<hbm>>
    %dma_start3A_37 = tpu.memref_squeeze %dma_start3A_36 : memref<1x64xi32, #tpu.memory_space<hbm>> -> memref<64xi32, #tpu.memory_space<hbm>>
    tpu.enqueue_dma source(%dma_start3A_37 : memref<64xi32, #tpu.memory_space<hbm>>) target(%dma_start3A_35 : memref<64xi32, #tpu.memory_space<vmem>>) target_semaphore(%arg11 : memref<!tpu.dma_semaphore, #tpu.memory_space<semaphore_mem>>)
    %dma_start3A_38 = arith.constant 3 : i32
    %dma_start3A_39 = arith.constant 3 : i32
    %dma_start3A_40 = arith.constant 0 : i32
    %dma_start3A_41 = tpu.memref_slice %arg7[%dma_start3A_39, %dma_start3A_40] : memref<4x64xi32, #tpu.memory_space<vmem>> -> memref<1x64xi32, #tpu.memory_space<vmem>>
    %dma_start3A_42 = tpu.memref_squeeze %dma_start3A_41 : memref<1x64xi32, #tpu.memory_space<vmem>> -> memref<64xi32, #tpu.memory_space<vmem>>
    %dma_start3A_43 = tpu.memref_slice %arg2[%dma_start3A_38, %mul3A_2] : memref<4x2048xi32, #tpu.memory_space<hbm>> -> memref<1x64xi32, #tpu.memory_space<hbm>>
    %dma_start3A_44 = tpu.memref_squeeze %dma_start3A_43 : memref<1x64xi32, #tpu.memory_space<hbm>> -> memref<64xi32, #tpu.memory_space<hbm>>
    %dma_start3A_45 = arith.constant 0 : i32
    %dma_start3A_46 = tpu.memref_slice %arg7[%dma_start3A_39, %dma_start3A_45] : memref<4x64xi32, #tpu.memory_space<vmem>> -> memref<1x64xi32, #tpu.memory_space<vmem>>
    %dma_start3A_47 = tpu.memref_squeeze %dma_start3A_46 : memref<1x64xi32, #tpu.memory_space<vmem>> -> memref<64xi32, #tpu.memory_space<vmem>>
    %dma_start3A_48 = tpu.memref_slice %arg2[%dma_start3A_38, %mul3A_2] : memref<4x2048xi32, #tpu.memory_space<hbm>> -> memref<1x64xi32, #tpu.memory_space<hbm>>
    %dma_start3A_49 = tpu.memref_squeeze %dma_start3A_48 : memref<1x64xi32, #tpu.memory_space<hbm>> -> memref<64xi32, #tpu.memory_space<hbm>>
    tpu.enqueue_dma source(%dma_start3A_49 : memref<64xi32, #tpu.memory_space<hbm>>) target(%dma_start3A_47 : memref<64xi32, #tpu.memory_space<vmem>>) target_semaphore(%arg11 : memref<!tpu.dma_semaphore, #tpu.memory_space<semaphore_mem>>)
    %dma_start3A_50 = arith.constant 0 : i32
    %dma_start3A_51 = tpu.memref_slice %arg4[%mul3A_2, %dma_start3A_50] : memref<2048x128xf32, #tpu.memory_space<hbm>> -> memref<64x128xf32, #tpu.memory_space<hbm>>
    %dma_start3A_52 = arith.constant 0 : i32
    %dma_start3A_53 = tpu.memref_slice %arg4[%mul3A_2, %dma_start3A_52] : memref<2048x128xf32, #tpu.memory_space<hbm>> -> memref<64x128xf32, #tpu.memory_space<hbm>>
    tpu.enqueue_dma source(%dma_start3A_53 : memref<64x128xf32, #tpu.memory_space<hbm>>) target(%arg9 : memref<64x128xf32, #tpu.memory_space<vmem>>) target_semaphore(%arg14 : memref<!tpu.dma_semaphore, #tpu.memory_space<semaphore_mem>>)
    %lt3A = arith.constant 4 : i32
    %lt3A_54 = arith.cmpi slt, %add3A, %lt3A : i32
    %convert_element_type3A = arith.extui %lt3A_54 : i1 to i32
    %cond3A = arith.constant 0 : i32
    %cond3A_55 = arith.cmpi ne, %convert_element_type3A, %cond3A : i32
    scf.if %cond3A_55 {
      tpu.enqueue_dma source(%arg5 : memref<8x128xf32, #tpu.memory_space<hbm>>) target(%arg10 : memref<8x128xf32, #tpu.memory_space<vmem>>) target_semaphore(%arg15 : memref<!tpu.dma_semaphore, #tpu.memory_space<semaphore_mem>>)
      tpu.wait_dma2 semaphore(%arg15 : memref<!tpu.dma_semaphore, #tpu.memory_space<semaphore_mem>>) src(%arg5 : memref<8x128xf32, #tpu.memory_space<hbm>>) dst(%arg10 : memref<8x128xf32, #tpu.memory_space<vmem>>)
    } else {
    }
    %dma_wait3A = arith.constant 0 : i32
    %dma_wait3A_56 = arith.constant 0 : i32
    %dma_wait3A_57 = arith.constant 0 : i32
    %dma_wait3A_58 = tpu.memref_slice %arg7[%dma_wait3A_56, %dma_wait3A_57] : memref<4x64xi32, #tpu.memory_space<vmem>> -> memref<1x64xi32, #tpu.memory_space<vmem>>
    %dma_wait3A_59 = tpu.memref_squeeze %dma_wait3A_58 : memref<1x64xi32, #tpu.memory_space<vmem>> -> memref<64xi32, #tpu.memory_space<vmem>>
    %dma_wait3A_60 = tpu.memref_slice %arg2[%dma_wait3A, %mul3A_2] : memref<4x2048xi32, #tpu.memory_space<hbm>> -> memref<1x64xi32, #tpu.memory_space<hbm>>
    %dma_wait3A_61 = tpu.memref_squeeze %dma_wait3A_60 : memref<1x64xi32, #tpu.memory_space<hbm>> -> memref<64xi32, #tpu.memory_space<hbm>>
    %dma_wait3A_62 = arith.constant 0 : i32
    %dma_wait3A_63 = tpu.memref_slice %arg7[%dma_wait3A_56, %dma_wait3A_62] : memref<4x64xi32, #tpu.memory_space<vmem>> -> memref<1x64xi32, #tpu.memory_space<vmem>>
    %dma_wait3A_64 = tpu.memref_squeeze %dma_wait3A_63 : memref<1x64xi32, #tpu.memory_space<vmem>> -> memref<64xi32, #tpu.memory_space<vmem>>
    %dma_wait3A_65 = tpu.memref_slice %arg2[%dma_wait3A, %mul3A_2] : memref<4x2048xi32, #tpu.memory_space<hbm>> -> memref<1x64xi32, #tpu.memory_space<hbm>>
    %dma_wait3A_66 = tpu.memref_squeeze %dma_wait3A_65 : memref<1x64xi32, #tpu.memory_space<hbm>> -> memref<64xi32, #tpu.memory_space<hbm>>
    tpu.wait_dma2 semaphore(%arg11 : memref<!tpu.dma_semaphore, #tpu.memory_space<semaphore_mem>>) src(%dma_wait3A_66 : memref<64xi32, #tpu.memory_space<hbm>>) dst(%dma_wait3A_64 : memref<64xi32, #tpu.memory_space<vmem>>)
    %dma_wait3A_67 = arith.constant 1 : i32
    %dma_wait3A_68 = arith.constant 1 : i32
    %dma_wait3A_69 = arith.constant 0 : i32
    %dma_wait3A_70 = tpu.memref_slice %arg7[%dma_wait3A_68, %dma_wait3A_69] : memref<4x64xi32, #tpu.memory_space<vmem>> -> memref<1x64xi32, #tpu.memory_space<vmem>>
    %dma_wait3A_71 = tpu.memref_squeeze %dma_wait3A_70 : memref<1x64xi32, #tpu.memory_space<vmem>> -> memref<64xi32, #tpu.memory_space<vmem>>
    %dma_wait3A_72 = tpu.memref_slice %arg2[%dma_wait3A_67, %mul3A_2] : memref<4x2048xi32, #tpu.memory_space<hbm>> -> memref<1x64xi32, #tpu.memory_space<hbm>>
    %dma_wait3A_73 = tpu.memref_squeeze %dma_wait3A_72 : memref<1x64xi32, #tpu.memory_space<hbm>> -> memref<64xi32, #tpu.memory_space<hbm>>
    %dma_wait3A_74 = arith.constant 0 : i32
    %dma_wait3A_75 = tpu.memref_slice %arg7[%dma_wait3A_68, %dma_wait3A_74] : memref<4x64xi32, #tpu.memory_space<vmem>> -> memref<1x64xi32, #tpu.memory_space<vmem>>
    %dma_wait3A_76 = tpu.memref_squeeze %dma_wait3A_75 : memref<1x64xi32, #tpu.memory_space<vmem>> -> memref<64xi32, #tpu.memory_space<vmem>>
    %dma_wait3A_77 = tpu.memref_slice %arg2[%dma_wait3A_67, %mul3A_2] : memref<4x2048xi32, #tpu.memory_space<hbm>> -> memref<1x64xi32, #tpu.memory_space<hbm>>
    %dma_wait3A_78 = tpu.memref_squeeze %dma_wait3A_77 : memref<1x64xi32, #tpu.memory_space<hbm>> -> memref<64xi32, #tpu.memory_space<hbm>>
    tpu.wait_dma2 semaphore(%arg11 : memref<!tpu.dma_semaphore, #tpu.memory_space<semaphore_mem>>) src(%dma_wait3A_78 : memref<64xi32, #tpu.memory_space<hbm>>) dst(%dma_wait3A_76 : memref<64xi32, #tpu.memory_space<vmem>>)
    %dma_wait3A_79 = arith.constant 2 : i32
    %dma_wait3A_80 = arith.constant 2 : i32
    %dma_wait3A_81 = arith.constant 0 : i32
    %dma_wait3A_82 = tpu.memref_slice %arg7[%dma_wait3A_80, %dma_wait3A_81] : memref<4x64xi32, #tpu.memory_space<vmem>> -> memref<1x64xi32, #tpu.memory_space<vmem>>
    %dma_wait3A_83 = tpu.memref_squeeze %dma_wait3A_82 : memref<1x64xi32, #tpu.memory_space<vmem>> -> memref<64xi32, #tpu.memory_space<vmem>>
    %dma_wait3A_84 = tpu.memref_slice %arg2[%dma_wait3A_79, %mul3A_2] : memref<4x2048xi32, #tpu.memory_space<hbm>> -> memref<1x64xi32, #tpu.memory_space<hbm>>
    %dma_wait3A_85 = tpu.memref_squeeze %dma_wait3A_84 : memref<1x64xi32, #tpu.memory_space<hbm>> -> memref<64xi32, #tpu.memory_space<hbm>>
    %dma_wait3A_86 = arith.constant 0 : i32
    %dma_wait3A_87 = tpu.memref_slice %arg7[%dma_wait3A_80, %dma_wait3A_86] : memref<4x64xi32, #tpu.memory_space<vmem>> -> memref<1x64xi32, #tpu.memory_space<vmem>>
    %dma_wait3A_88 = tpu.memref_squeeze %dma_wait3A_87 : memref<1x64xi32, #tpu.memory_space<vmem>> -> memref<64xi32, #tpu.memory_space<vmem>>
    %dma_wait3A_89 = tpu.memref_slice %arg2[%dma_wait3A_79, %mul3A_2] : memref<4x2048xi32, #tpu.memory_space<hbm>> -> memref<1x64xi32, #tpu.memory_space<hbm>>
    %dma_wait3A_90 = tpu.memref_squeeze %dma_wait3A_89 : memref<1x64xi32, #tpu.memory_space<hbm>> -> memref<64xi32, #tpu.memory_space<hbm>>
    tpu.wait_dma2 semaphore(%arg11 : memref<!tpu.dma_semaphore, #tpu.memory_space<semaphore_mem>>) src(%dma_wait3A_90 : memref<64xi32, #tpu.memory_space<hbm>>) dst(%dma_wait3A_88 : memref<64xi32, #tpu.memory_space<vmem>>)
    %dma_wait3A_91 = arith.constant 3 : i32
    %dma_wait3A_92 = arith.constant 3 : i32
    %dma_wait3A_93 = arith.constant 0 : i32
    %dma_wait3A_94 = tpu.memref_slice %arg7[%dma_wait3A_92, %dma_wait3A_93] : memref<4x64xi32, #tpu.memory_space<vmem>> -> memref<1x64xi32, #tpu.memory_space<vmem>>
    %dma_wait3A_95 = tpu.memref_squeeze %dma_wait3A_94 : memref<1x64xi32, #tpu.memory_space<vmem>> -> memref<64xi32, #tpu.memory_space<vmem>>
    %dma_wait3A_96 = tpu.memref_slice %arg2[%dma_wait3A_91, %mul3A_2] : memref<4x2048xi32, #tpu.memory_space<hbm>> -> memref<1x64xi32, #tpu.memory_space<hbm>>
    %dma_wait3A_97 = tpu.memref_squeeze %dma_wait3A_96 : memref<1x64xi32, #tpu.memory_space<hbm>> -> memref<64xi32, #tpu.memory_space<hbm>>
    %dma_wait3A_98 = arith.constant 0 : i32
    %dma_wait3A_99 = tpu.memref_slice %arg7[%dma_wait3A_92, %dma_wait3A_98] : memref<4x64xi32, #tpu.memory_space<vmem>> -> memref<1x64xi32, #tpu.memory_space<vmem>>
    %dma_wait3A_100 = tpu.memref_squeeze %dma_wait3A_99 : memref<1x64xi32, #tpu.memory_space<vmem>> -> memref<64xi32, #tpu.memory_space<vmem>>
    %dma_wait3A_101 = tpu.memref_slice %arg2[%dma_wait3A_91, %mul3A_2] : memref<4x2048xi32, #tpu.memory_space<hbm>> -> memref<1x64xi32, #tpu.memory_space<hbm>>
    %dma_wait3A_102 = tpu.memref_squeeze %dma_wait3A_101 : memref<1x64xi32, #tpu.memory_space<hbm>> -> memref<64xi32, #tpu.memory_space<hbm>>
    tpu.wait_dma2 semaphore(%arg11 : memref<!tpu.dma_semaphore, #tpu.memory_space<semaphore_mem>>) src(%dma_wait3A_102 : memref<64xi32, #tpu.memory_space<hbm>>) dst(%dma_wait3A_100 : memref<64xi32, #tpu.memory_space<vmem>>)
    %dma_start3A_103 = arith.constant 0 : i32
    %dma_start3A_104 = arith.constant 0 : i32
    %dma_start3A_105 = arith.constant 0 : i32
    %dma_start3A_106 = arith.constant 0 : i32
    %dma_start3A_107 = tpu.memref_slice %arg8[%dma_start3A_104, %dma_start3A_105, %dma_start3A_106] : memref<4x64x128xf32, #tpu.memory_space<vmem>> -> memref<1x64x128xf32, #tpu.memory_space<vmem>>
    %dma_start3A_108 = tpu.memref_squeeze %dma_start3A_107 : memref<1x64x128xf32, #tpu.memory_space<vmem>> -> memref<64x128xf32, #tpu.memory_space<vmem>>
    %dma_start3A_109 = arith.constant 0 : i32
    %dma_start3A_110 = tpu.memref_slice %arg7[%dma_start3A_103, %dma_start3A_109] : memref<4x64xi32, #tpu.memory_space<vmem>> -> memref<1x64xi32, #tpu.memory_space<vmem>>
    %dma_start3A_111 = tpu.memref_squeeze %dma_start3A_110 : memref<1x64xi32, #tpu.memory_space<vmem>> -> memref<64xi32, #tpu.memory_space<vmem>>
    %dma_start3A_112 = arith.constant 0 : i32
    %dma_start3A_113 = arith.constant 0 : i32
    %dma_start3A_114 = tpu.memref_slice %arg3[%dma_start3A_112, %dma_start3A_113] : memref<100000x128xf32, #tpu.memory_space<hbm>> -> memref<100000x128xf32, #tpu.memory_space<hbm>>
    tpu.enqueue_indirect_dma source(%dma_start3A_114 : memref<100000x128xf32, #tpu.memory_space<hbm>>) target(%dma_start3A_108 : memref<64x128xf32, #tpu.memory_space<vmem>>) offsets(%dma_start3A_111 : memref<64xi32, #tpu.memory_space<vmem>>) semaphore(%arg12 : memref<!tpu.dma_semaphore, #tpu.memory_space<semaphore_mem>>)
    %dma_start3A_115 = arith.constant 1 : i32
    %dma_start3A_116 = arith.constant 1 : i32
    %dma_start3A_117 = arith.constant 0 : i32
    %dma_start3A_118 = arith.constant 0 : i32
    %dma_start3A_119 = tpu.memref_slice %arg8[%dma_start3A_116, %dma_start3A_117, %dma_start3A_118] : memref<4x64x128xf32, #tpu.memory_space<vmem>> -> memref<1x64x128xf32, #tpu.memory_space<vmem>>
    %dma_start3A_120 = tpu.memref_squeeze %dma_start3A_119 : memref<1x64x128xf32, #tpu.memory_space<vmem>> -> memref<64x128xf32, #tpu.memory_space<vmem>>
    %dma_start3A_121 = arith.constant 0 : i32
    %dma_start3A_122 = tpu.memref_slice %arg7[%dma_start3A_115, %dma_start3A_121] : memref<4x64xi32, #tpu.memory_space<vmem>> -> memref<1x64xi32, #tpu.memory_space<vmem>>
    %dma_start3A_123 = tpu.memref_squeeze %dma_start3A_122 : memref<1x64xi32, #tpu.memory_space<vmem>> -> memref<64xi32, #tpu.memory_space<vmem>>
    %dma_start3A_124 = arith.constant 0 : i32
    %dma_start3A_125 = arith.constant 0 : i32
    %dma_start3A_126 = tpu.memref_slice %arg3[%dma_start3A_124, %dma_start3A_125] : memref<100000x128xf32, #tpu.memory_space<hbm>> -> memref<100000x128xf32, #tpu.memory_space<hbm>>
    tpu.enqueue_indirect_dma source(%dma_start3A_126 : memref<100000x128xf32, #tpu.memory_space<hbm>>) target(%dma_start3A_120 : memref<64x128xf32, #tpu.memory_space<vmem>>) offsets(%dma_start3A_123 : memref<64xi32, #tpu.memory_space<vmem>>) semaphore(%arg12 : memref<!tpu.dma_semaphore, #tpu.memory_space<semaphore_mem>>)
    %dma_start3A_127 = arith.constant 2 : i32
    %dma_start3A_128 = arith.constant 2 : i32
    %dma_start3A_129 = arith.constant 0 : i32
    %dma_start3A_130 = arith.constant 0 : i32
    %dma_start3A_131 = tpu.memref_slice %arg8[%dma_start3A_128, %dma_start3A_129, %dma_start3A_130] : memref<4x64x128xf32, #tpu.memory_space<vmem>> -> memref<1x64x128xf32, #tpu.memory_space<vmem>>
    %dma_start3A_132 = tpu.memref_squeeze %dma_start3A_131 : memref<1x64x128xf32, #tpu.memory_space<vmem>> -> memref<64x128xf32, #tpu.memory_space<vmem>>
    %dma_start3A_133 = arith.constant 0 : i32
    %dma_start3A_134 = tpu.memref_slice %arg7[%dma_start3A_127, %dma_start3A_133] : memref<4x64xi32, #tpu.memory_space<vmem>> -> memref<1x64xi32, #tpu.memory_space<vmem>>
    %dma_start3A_135 = tpu.memref_squeeze %dma_start3A_134 : memref<1x64xi32, #tpu.memory_space<vmem>> -> memref<64xi32, #tpu.memory_space<vmem>>
    %dma_start3A_136 = arith.constant 0 : i32
    %dma_start3A_137 = arith.constant 0 : i32
    %dma_start3A_138 = tpu.memref_slice %arg3[%dma_start3A_136, %dma_start3A_137] : memref<100000x128xf32, #tpu.memory_space<hbm>> -> memref<100000x128xf32, #tpu.memory_space<hbm>>
    tpu.enqueue_indirect_dma source(%dma_start3A_138 : memref<100000x128xf32, #tpu.memory_space<hbm>>) target(%dma_start3A_132 : memref<64x128xf32, #tpu.memory_space<vmem>>) offsets(%dma_start3A_135 : memref<64xi32, #tpu.memory_space<vmem>>) semaphore(%arg12 : memref<!tpu.dma_semaphore, #tpu.memory_space<semaphore_mem>>)
    %dma_start3A_139 = arith.constant 3 : i32
    %dma_start3A_140 = arith.constant 3 : i32
    %dma_start3A_141 = arith.constant 0 : i32
    %dma_start3A_142 = arith.constant 0 : i32
    %dma_start3A_143 = tpu.memref_slice %arg8[%dma_start3A_140, %dma_start3A_141, %dma_start3A_142] : memref<4x64x128xf32, #tpu.memory_space<vmem>> -> memref<1x64x128xf32, #tpu.memory_space<vmem>>
    %dma_start3A_144 = tpu.memref_squeeze %dma_start3A_143 : memref<1x64x128xf32, #tpu.memory_space<vmem>> -> memref<64x128xf32, #tpu.memory_space<vmem>>
    %dma_start3A_145 = arith.constant 0 : i32
    %dma_start3A_146 = tpu.memref_slice %arg7[%dma_start3A_139, %dma_start3A_145] : memref<4x64xi32, #tpu.memory_space<vmem>> -> memref<1x64xi32, #tpu.memory_space<vmem>>
    %dma_start3A_147 = tpu.memref_squeeze %dma_start3A_146 : memref<1x64xi32, #tpu.memory_space<vmem>> -> memref<64xi32, #tpu.memory_space<vmem>>
    %dma_start3A_148 = arith.constant 0 : i32
    %dma_start3A_149 = arith.constant 0 : i32
    %dma_start3A_150 = tpu.memref_slice %arg3[%dma_start3A_148, %dma_start3A_149] : memref<100000x128xf32, #tpu.memory_space<hbm>> -> memref<100000x128xf32, #tpu.memory_space<hbm>>
    tpu.enqueue_indirect_dma source(%dma_start3A_150 : memref<100000x128xf32, #tpu.memory_space<hbm>>) target(%dma_start3A_144 : memref<64x128xf32, #tpu.memory_space<vmem>>) offsets(%dma_start3A_147 : memref<64xi32, #tpu.memory_space<vmem>>) semaphore(%arg12 : memref<!tpu.dma_semaphore, #tpu.memory_space<semaphore_mem>>)
    %convert_element_type3A_151 = arith.extui %lt3A_54 : i1 to i32
    %cond3A_152 = arith.constant 0 : i32
    %cond3A_153 = arith.cmpi ne, %convert_element_type3A_151, %cond3A_152 : i32
    scf.if %cond3A_153 {
      %dma_start3A_361 = arith.constant 0 : i32
      %dma_start3A_362 = arith.constant 0 : i32
      %dma_start3A_363 = tpu.memref_slice %arg6[%add3A, %dma_start3A_361, %dma_start3A_362] : memref<4x2056x128xf32, #tpu.memory_space<hbm>> -> memref<1x8x128xf32, #tpu.memory_space<hbm>>
      %dma_start3A_364 = tpu.memref_squeeze %dma_start3A_363 : memref<1x8x128xf32, #tpu.memory_space<hbm>> -> memref<8x128xf32, #tpu.memory_space<hbm>>
      %dma_start3A_365 = arith.constant 0 : i32
      %dma_start3A_366 = arith.constant 0 : i32
      %dma_start3A_367 = tpu.memref_slice %arg6[%add3A, %dma_start3A_365, %dma_start3A_366] : memref<4x2056x128xf32, #tpu.memory_space<hbm>> -> memref<1x8x128xf32, #tpu.memory_space<hbm>>
      %dma_start3A_368 = tpu.memref_squeeze %dma_start3A_367 : memref<1x8x128xf32, #tpu.memory_space<hbm>> -> memref<8x128xf32, #tpu.memory_space<hbm>>
      tpu.enqueue_dma source(%arg10 : memref<8x128xf32, #tpu.memory_space<vmem>>) target(%dma_start3A_368 : memref<8x128xf32, #tpu.memory_space<hbm>>) target_semaphore(%arg13 : memref<!tpu.dma_semaphore, #tpu.memory_space<semaphore_mem>>)
      %dma_wait3A_369 = arith.constant 0 : i32
      %dma_wait3A_370 = arith.constant 0 : i32
      %dma_wait3A_371 = tpu.memref_slice %arg6[%add3A, %dma_wait3A_369, %dma_wait3A_370] : memref<4x2056x128xf32, #tpu.memory_space<hbm>> -> memref<1x8x128xf32, #tpu.memory_space<hbm>>
      %dma_wait3A_372 = tpu.memref_squeeze %dma_wait3A_371 : memref<1x8x128xf32, #tpu.memory_space<hbm>> -> memref<8x128xf32, #tpu.memory_space<hbm>>
      %dma_wait3A_373 = arith.constant 0 : i32
      %dma_wait3A_374 = arith.constant 0 : i32
      %dma_wait3A_375 = tpu.memref_slice %arg6[%add3A, %dma_wait3A_373, %dma_wait3A_374] : memref<4x2056x128xf32, #tpu.memory_space<hbm>> -> memref<1x8x128xf32, #tpu.memory_space<hbm>>
      %dma_wait3A_376 = tpu.memref_squeeze %dma_wait3A_375 : memref<1x8x128xf32, #tpu.memory_space<hbm>> -> memref<8x128xf32, #tpu.memory_space<hbm>>
      tpu.wait_dma2 semaphore(%arg13 : memref<!tpu.dma_semaphore, #tpu.memory_space<semaphore_mem>>) src(%arg10 : memref<8x128xf32, #tpu.memory_space<vmem>>) dst(%dma_wait3A_376 : memref<8x128xf32, #tpu.memory_space<hbm>>)
    } else {
    }
    %dma_wait3A_154 = arith.constant 0 : i32
    %dma_wait3A_155 = tpu.memref_slice %arg4[%mul3A_2, %dma_wait3A_154] : memref<2048x128xf32, #tpu.memory_space<hbm>> -> memref<64x128xf32, #tpu.memory_space<hbm>>
    %dma_wait3A_156 = arith.constant 0 : i32
    %dma_wait3A_157 = tpu.memref_slice %arg4[%mul3A_2, %dma_wait3A_156] : memref<2048x128xf32, #tpu.memory_space<hbm>> -> memref<64x128xf32, #tpu.memory_space<hbm>>
    tpu.wait_dma2 semaphore(%arg14 : memref<!tpu.dma_semaphore, #tpu.memory_space<semaphore_mem>>) src(%dma_wait3A_157 : memref<64x128xf32, #tpu.memory_space<hbm>>) dst(%arg9 : memref<64x128xf32, #tpu.memory_space<vmem>>)
    %dma_wait3A_158 = arith.constant 0 : i32
    %dma_wait3A_159 = arith.constant 0 : i32
    %dma_wait3A_160 = arith.constant 0 : i32
    %dma_wait3A_161 = arith.constant 0 : i32
    %dma_wait3A_162 = tpu.memref_slice %arg8[%dma_wait3A_159, %dma_wait3A_160, %dma_wait3A_161] : memref<4x64x128xf32, #tpu.memory_space<vmem>> -> memref<1x64x128xf32, #tpu.memory_space<vmem>>
    %dma_wait3A_163 = tpu.memref_squeeze %dma_wait3A_162 : memref<1x64x128xf32, #tpu.memory_space<vmem>> -> memref<64x128xf32, #tpu.memory_space<vmem>>
    %dma_wait3A_164 = arith.constant 0 : i32
    %dma_wait3A_165 = tpu.memref_slice %arg7[%dma_wait3A_158, %dma_wait3A_164] : memref<4x64xi32, #tpu.memory_space<vmem>> -> memref<1x64xi32, #tpu.memory_space<vmem>>
    %dma_wait3A_166 = tpu.memref_squeeze %dma_wait3A_165 : memref<1x64xi32, #tpu.memory_space<vmem>> -> memref<64xi32, #tpu.memory_space<vmem>>
    %dma_wait3A_167 = arith.constant 0 : i32
    %dma_wait3A_168 = arith.constant 0 : i32
    %dma_wait3A_169 = tpu.memref_slice %arg3[%dma_wait3A_167, %dma_wait3A_168] : memref<100000x128xf32, #tpu.memory_space<hbm>> -> memref<100000x128xf32, #tpu.memory_space<hbm>>
    tpu.wait_indirect_dma semaphore(%arg12 : memref<!tpu.dma_semaphore, #tpu.memory_space<semaphore_mem>>) src(%dma_wait3A_169 : memref<100000x128xf32, #tpu.memory_space<hbm>>) dst(%dma_wait3A_163 : memref<64x128xf32, #tpu.memory_space<vmem>>)
    %scan3A = arith.constant 0 : i32
    %scan3A_170 = arith.constant 64 : i32
    %scan3A_171 = arith.addi %scan3A, %scan3A_170 : i32
    %scan3A_172 = arith.constant 1 : i32
    scf.for %scan3A_361 = %scan3A to %scan3A_171 step %scan3A_172  : i32 {
      %get3A = arith.index_cast %scan3A_361 : i32 to index
      %get3A_362 = arith.constant 0 : index
      %get3A_363 = tpu.vector_load %arg9[%get3A, %get3A_362] {strides = array<i32>} : memref<64x128xf32, #tpu.memory_space<vmem>>, vector<1x16xf32>,
      %get3A_364 = vector.shape_cast %get3A_363 : vector<1x16xf32> to vector<16xf32>
      %swap3A = arith.constant 0 : i32
      %swap3A_365 = arith.index_cast %swap3A : i32 to index
      %swap3A_366 = arith.index_cast %scan3A_361 : i32 to index
      %swap3A_367 = arith.constant 0 : index
      %swap3A_368 = tpu.vector_load %arg8[%swap3A_365, %swap3A_366, %swap3A_367] {strides = array<i32>} : memref<4x64x128xf32, #tpu.memory_space<vmem>>, vector<1x1x16xf32>,
      %swap3A_369 = vector.shape_cast %swap3A_368 : vector<1x1x16xf32> to vector<16xf32>
      %swap3A_370 = vector.shape_cast %get3A_364 : vector<16xf32> to vector<1x1x16xf32>
      tpu.vector_store %arg8[%swap3A_365, %swap3A_366, %swap3A_367], %swap3A_370 {add = true, strides = array<i32>} : memref<4x64x128xf32, #tpu.memory_space<vmem>>, vector<1x1x16xf32>,
      %get3A_371 = arith.index_cast %scan3A_361 : i32 to index
      %get3A_372 = arith.constant 16 : index
      %get3A_373 = tpu.vector_load %arg9[%get3A_371, %get3A_372] {strides = array<i32>} : memref<64x128xf32, #tpu.memory_space<vmem>>, vector<1x16xf32>,
      %get3A_374 = vector.shape_cast %get3A_373 : vector<1x16xf32> to vector<16xf32>
      %swap3A_375 = arith.constant 0 : i32
      %swap3A_376 = arith.index_cast %swap3A_375 : i32 to index
      %swap3A_377 = arith.index_cast %scan3A_361 : i32 to index
      %swap3A_378 = arith.constant 16 : index
      %swap3A_379 = tpu.vector_load %arg8[%swap3A_376, %swap3A_377, %swap3A_378] {strides = array<i32>} : memref<4x64x128xf32, #tpu.memory_space<vmem>>, vector<1x1x16xf32>,
      %swap3A_380 = vector.shape_cast %swap3A_379 : vector<1x1x16xf32> to vector<16xf32>
      %swap3A_381 = vector.shape_cast %get3A_374 : vector<16xf32> to vector<1x1x16xf32>
      tpu.vector_store %arg8[%swap3A_376, %swap3A_377, %swap3A_378], %swap3A_381 {add = true, strides = array<i32>} : memref<4x64x128xf32, #tpu.memory_space<vmem>>, vector<1x1x16xf32>,
      %get3A_382 = arith.index_cast %scan3A_361 : i32 to index
      %get3A_383 = arith.constant 32 : index
      %get3A_384 = tpu.vector_load %arg9[%get3A_382, %get3A_383] {strides = array<i32>} : memref<64x128xf32, #tpu.memory_space<vmem>>, vector<1x16xf32>,
      %get3A_385 = vector.shape_cast %get3A_384 : vector<1x16xf32> to vector<16xf32>
      %swap3A_386 = arith.constant 0 : i32
      %swap3A_387 = arith.index_cast %swap3A_386 : i32 to index
      %swap3A_388 = arith.index_cast %scan3A_361 : i32 to index
      %swap3A_389 = arith.constant 32 : index
      %swap3A_390 = tpu.vector_load %arg8[%swap3A_387, %swap3A_388, %swap3A_389] {strides = array<i32>} : memref<4x64x128xf32, #tpu.memory_space<vmem>>, vector<1x1x16xf32>,
      %swap3A_391 = vector.shape_cast %swap3A_390 : vector<1x1x16xf32> to vector<16xf32>
      %swap3A_392 = vector.shape_cast %get3A_385 : vector<16xf32> to vector<1x1x16xf32>
      tpu.vector_store %arg8[%swap3A_387, %swap3A_388, %swap3A_389], %swap3A_392 {add = true, strides = array<i32>} : memref<4x64x128xf32, #tpu.memory_space<vmem>>, vector<1x1x16xf32>,
      %get3A_393 = arith.index_cast %scan3A_361 : i32 to index
      %get3A_394 = arith.constant 48 : index
      %get3A_395 = tpu.vector_load %arg9[%get3A_393, %get3A_394] {strides = array<i32>} : memref<64x128xf32, #tpu.memory_space<vmem>>, vector<1x16xf32>,
      %get3A_396 = vector.shape_cast %get3A_395 : vector<1x16xf32> to vector<16xf32>
      %swap3A_397 = arith.constant 0 : i32
      %swap3A_398 = arith.index_cast %swap3A_397 : i32 to index
      %swap3A_399 = arith.index_cast %scan3A_361 : i32 to index
      %swap3A_400 = arith.constant 48 : index
      %swap3A_401 = tpu.vector_load %arg8[%swap3A_398, %swap3A_399, %swap3A_400] {strides = array<i32>} : memref<4x64x128xf32, #tpu.memory_space<vmem>>, vector<1x1x16xf32>,
      %swap3A_402 = vector.shape_cast %swap3A_401 : vector<1x1x16xf32> to vector<16xf32>
      %swap3A_403 = vector.shape_cast %get3A_396 : vector<16xf32> to vector<1x1x16xf32>
      tpu.vector_store %arg8[%swap3A_398, %swap3A_399, %swap3A_400], %swap3A_403 {add = true, strides = array<i32>} : memref<4x64x128xf32, #tpu.memory_space<vmem>>, vector<1x1x16xf32>,
      %get3A_404 = arith.index_cast %scan3A_361 : i32 to index
      %get3A_405 = arith.constant 64 : index
      %get3A_406 = tpu.vector_load %arg9[%get3A_404, %get3A_405] {strides = array<i32>} : memref<64x128xf32, #tpu.memory_space<vmem>>, vector<1x16xf32>,
      %get3A_407 = vector.shape_cast %get3A_406 : vector<1x16xf32> to vector<16xf32>
      %swap3A_408 = arith.constant 0 : i32
      %swap3A_409 = arith.index_cast %swap3A_408 : i32 to index
      %swap3A_410 = arith.index_cast %scan3A_361 : i32 to index
      %swap3A_411 = arith.constant 64 : index
      %swap3A_412 = tpu.vector_load %arg8[%swap3A_409, %swap3A_410, %swap3A_411] {strides = array<i32>} : memref<4x64x128xf32, #tpu.memory_space<vmem>>, vector<1x1x16xf32>,
      %swap3A_413 = vector.shape_cast %swap3A_412 : vector<1x1x16xf32> to vector<16xf32>
      %swap3A_414 = vector.shape_cast %get3A_407 : vector<16xf32> to vector<1x1x16xf32>
      tpu.vector_store %arg8[%swap3A_409, %swap3A_410, %swap3A_411], %swap3A_414 {add = true, strides = array<i32>} : memref<4x64x128xf32, #tpu.memory_space<vmem>>, vector<1x1x16xf32>,
      %get3A_415 = arith.index_cast %scan3A_361 : i32 to index
      %get3A_416 = arith.constant 80 : index
      %get3A_417 = tpu.vector_load %arg9[%get3A_415, %get3A_416] {strides = array<i32>} : memref<64x128xf32, #tpu.memory_space<vmem>>, vector<1x16xf32>,
      %get3A_418 = vector.shape_cast %get3A_417 : vector<1x16xf32> to vector<16xf32>
      %swap3A_419 = arith.constant 0 : i32
      %swap3A_420 = arith.index_cast %swap3A_419 : i32 to index
      %swap3A_421 = arith.index_cast %scan3A_361 : i32 to index
      %swap3A_422 = arith.constant 80 : index
      %swap3A_423 = tpu.vector_load %arg8[%swap3A_420, %swap3A_421, %swap3A_422] {strides = array<i32>} : memref<4x64x128xf32, #tpu.memory_space<vmem>>, vector<1x1x16xf32>,
      %swap3A_424 = vector.shape_cast %swap3A_423 : vector<1x1x16xf32> to vector<16xf32>
      %swap3A_425 = vector.shape_cast %get3A_418 : vector<16xf32> to vector<1x1x16xf32>
      tpu.vector_store %arg8[%swap3A_420, %swap3A_421, %swap3A_422], %swap3A_425 {add = true, strides = array<i32>} : memref<4x64x128xf32, #tpu.memory_space<vmem>>, vector<1x1x16xf32>,
      %get3A_426 = arith.index_cast %scan3A_361 : i32 to index
      %get3A_427 = arith.constant 96 : index
      %get3A_428 = tpu.vector_load %arg9[%get3A_426, %get3A_427] {strides = array<i32>} : memref<64x128xf32, #tpu.memory_space<vmem>>, vector<1x16xf32>,
      %get3A_429 = vector.shape_cast %get3A_428 : vector<1x16xf32> to vector<16xf32>
      %swap3A_430 = arith.constant 0 : i32
      %swap3A_431 = arith.index_cast %swap3A_430 : i32 to index
      %swap3A_432 = arith.index_cast %scan3A_361 : i32 to index
      %swap3A_433 = arith.constant 96 : index
      %swap3A_434 = tpu.vector_load %arg8[%swap3A_431, %swap3A_432, %swap3A_433] {strides = array<i32>} : memref<4x64x128xf32, #tpu.memory_space<vmem>>, vector<1x1x16xf32>,
      %swap3A_435 = vector.shape_cast %swap3A_434 : vector<1x1x16xf32> to vector<16xf32>
      %swap3A_436 = vector.shape_cast %get3A_429 : vector<16xf32> to vector<1x1x16xf32>
      tpu.vector_store %arg8[%swap3A_431, %swap3A_432, %swap3A_433], %swap3A_436 {add = true, strides = array<i32>} : memref<4x64x128xf32, #tpu.memory_space<vmem>>, vector<1x1x16xf32>,
      %get3A_437 = arith.index_cast %scan3A_361 : i32 to index
      %get3A_438 = arith.constant 112 : index
      %get3A_439 = tpu.vector_load %arg9[%get3A_437, %get3A_438] {strides = array<i32>} : memref<64x128xf32, #tpu.memory_space<vmem>>, vector<1x16xf32>,
      %get3A_440 = vector.shape_cast %get3A_439 : vector<1x16xf32> to vector<16xf32>
      %swap3A_441 = arith.constant 0 : i32
      %swap3A_442 = arith.index_cast %swap3A_441 : i32 to index
      %swap3A_443 = arith.index_cast %scan3A_361 : i32 to index
      %swap3A_444 = arith.constant 112 : index
      %swap3A_445 = tpu.vector_load %arg8[%swap3A_442, %swap3A_443, %swap3A_444] {strides = array<i32>} : memref<4x64x128xf32, #tpu.memory_space<vmem>>, vector<1x1x16xf32>,
      %swap3A_446 = vector.shape_cast %swap3A_445 : vector<1x1x16xf32> to vector<16xf32>
      %swap3A_447 = vector.shape_cast %get3A_440 : vector<16xf32> to vector<1x1x16xf32>
      tpu.vector_store %arg8[%swap3A_442, %swap3A_443, %swap3A_444], %swap3A_447 {add = true, strides = array<i32>} : memref<4x64x128xf32, #tpu.memory_space<vmem>>, vector<1x1x16xf32>,
    }
    %scan3A_173 = arith.constant 64 : i32
    %add3A_174 = arith.constant 8 : i32
    %add3A_175 = arith.addi %add3A_174, %mul3A_2 : i32
    %dma_start3A_176 = arith.constant 0 : i32
    %dma_start3A_177 = arith.constant 0 : i32
    %dma_start3A_178 = arith.constant 0 : i32
    %dma_start3A_179 = arith.constant 0 : i32
    %dma_start3A_180 = tpu.memref_slice %arg8[%dma_start3A_176, %dma_start3A_178, %dma_start3A_179] : memref<4x64x128xf32, #tpu.memory_space<vmem>> -> memref<1x64x128xf32, #tpu.memory_space<vmem>>
    %dma_start3A_181 = tpu.memref_squeeze %dma_start3A_180 : memref<1x64x128xf32, #tpu.memory_space<vmem>> -> memref<64x128xf32, #tpu.memory_space<vmem>>
    %dma_start3A_182 = arith.constant 0 : i32
    %dma_start3A_183 = tpu.memref_slice %arg6[%dma_start3A_177, %add3A_175, %dma_start3A_182] : memref<4x2056x128xf32, #tpu.memory_space<hbm>> -> memref<1x64x128xf32, #tpu.memory_space<hbm>>
    %dma_start3A_184 = tpu.memref_squeeze %dma_start3A_183 : memref<1x64x128xf32, #tpu.memory_space<hbm>> -> memref<64x128xf32, #tpu.memory_space<hbm>>
    %dma_start3A_185 = arith.constant 0 : i32
    %dma_start3A_186 = tpu.memref_slice %arg6[%dma_start3A_177, %add3A_175, %dma_start3A_185] : memref<4x2056x128xf32, #tpu.memory_space<hbm>> -> memref<1x64x128xf32, #tpu.memory_space<hbm>>
    %dma_start3A_187 = tpu.memref_squeeze %dma_start3A_186 : memref<1x64x128xf32, #tpu.memory_space<hbm>> -> memref<64x128xf32, #tpu.memory_space<hbm>>
    %dma_start3A_188 = arith.constant 0 : i32
    %dma_start3A_189 = arith.constant 0 : i32
    %dma_start3A_190 = tpu.memref_slice %arg8[%dma_start3A_176, %dma_start3A_188, %dma_start3A_189] : memref<4x64x128xf32, #tpu.memory_space<vmem>> -> memref<1x64x128xf32, #tpu.memory_space<vmem>>
    %dma_start3A_191 = tpu.memref_squeeze %dma_start3A_190 : memref<1x64x128xf32, #tpu.memory_space<vmem>> -> memref<64x128xf32, #tpu.memory_space<vmem>>
    tpu.enqueue_dma source(%dma_start3A_191 : memref<64x128xf32, #tpu.memory_space<vmem>>) target(%dma_start3A_187 : memref<64x128xf32, #tpu.memory_space<hbm>>) target_semaphore(%arg13 : memref<!tpu.dma_semaphore, #tpu.memory_space<semaphore_mem>>)
    %dma_wait3A_192 = arith.constant 1 : i32
    %dma_wait3A_193 = arith.constant 1 : i32
    %dma_wait3A_194 = arith.constant 0 : i32
    %dma_wait3A_195 = arith.constant 0 : i32
    %dma_wait3A_196 = tpu.memref_slice %arg8[%dma_wait3A_193, %dma_wait3A_194, %dma_wait3A_195] : memref<4x64x128xf32, #tpu.memory_space<vmem>> -> memref<1x64x128xf32, #tpu.memory_space<vmem>>
    %dma_wait3A_197 = tpu.memref_squeeze %dma_wait3A_196 : memref<1x64x128xf32, #tpu.memory_space<vmem>> -> memref<64x128xf32, #tpu.memory_space<vmem>>
    %dma_wait3A_198 = arith.constant 0 : i32
    %dma_wait3A_199 = tpu.memref_slice %arg7[%dma_wait3A_192, %dma_wait3A_198] : memref<4x64xi32, #tpu.memory_space<vmem>> -> memref<1x64xi32, #tpu.memory_space<vmem>>
    %dma_wait3A_200 = tpu.memref_squeeze %dma_wait3A_199 : memref<1x64xi32, #tpu.memory_space<vmem>> -> memref<64xi32, #tpu.memory_space<vmem>>
    %dma_wait3A_201 = arith.constant 0 : i32
    %dma_wait3A_202 = arith.constant 0 : i32
    %dma_wait3A_203 = tpu.memref_slice %arg3[%dma_wait3A_201, %dma_wait3A_202] : memref<100000x128xf32, #tpu.memory_space<hbm>> -> memref<100000x128xf32, #tpu.memory_space<hbm>>
    tpu.wait_indirect_dma semaphore(%arg12 : memref<!tpu.dma_semaphore, #tpu.memory_space<semaphore_mem>>) src(%dma_wait3A_203 : memref<100000x128xf32, #tpu.memory_space<hbm>>) dst(%dma_wait3A_197 : memref<64x128xf32, #tpu.memory_space<vmem>>)
    %scan3A_204 = arith.constant 0 : i32
    %scan3A_205 = arith.constant 64 : i32
    %scan3A_206 = arith.addi %scan3A_204, %scan3A_205 : i32
    %scan3A_207 = arith.constant 1 : i32
    scf.for %scan3A_361 = %scan3A_204 to %scan3A_206 step %scan3A_207  : i32 {
      %get3A = arith.index_cast %scan3A_361 : i32 to index
      %get3A_362 = arith.constant 0 : index
      %get3A_363 = tpu.vector_load %arg9[%get3A, %get3A_362] {strides = array<i32>} : memref<64x128xf32, #tpu.memory_space<vmem>>, vector<1x16xf32>,
      %get3A_364 = vector.shape_cast %get3A_363 : vector<1x16xf32> to vector<16xf32>
      %swap3A = arith.constant 1 : i32
      %swap3A_365 = arith.index_cast %swap3A : i32 to index
      %swap3A_366 = arith.index_cast %scan3A_361 : i32 to index
      %swap3A_367 = arith.constant 0 : index
      %swap3A_368 = tpu.vector_load %arg8[%swap3A_365, %swap3A_366, %swap3A_367] {strides = array<i32>} : memref<4x64x128xf32, #tpu.memory_space<vmem>>, vector<1x1x16xf32>,
      %swap3A_369 = vector.shape_cast %swap3A_368 : vector<1x1x16xf32> to vector<16xf32>
      %swap3A_370 = vector.shape_cast %get3A_364 : vector<16xf32> to vector<1x1x16xf32>
      tpu.vector_store %arg8[%swap3A_365, %swap3A_366, %swap3A_367], %swap3A_370 {add = true, strides = array<i32>} : memref<4x64x128xf32, #tpu.memory_space<vmem>>, vector<1x1x16xf32>,
      %get3A_371 = arith.index_cast %scan3A_361 : i32 to index
      %get3A_372 = arith.constant 16 : index
      %get3A_373 = tpu.vector_load %arg9[%get3A_371, %get3A_372] {strides = array<i32>} : memref<64x128xf32, #tpu.memory_space<vmem>>, vector<1x16xf32>,
      %get3A_374 = vector.shape_cast %get3A_373 : vector<1x16xf32> to vector<16xf32>
      %swap3A_375 = arith.constant 1 : i32
      %swap3A_376 = arith.index_cast %swap3A_375 : i32 to index
      %swap3A_377 = arith.index_cast %scan3A_361 : i32 to index
      %swap3A_378 = arith.constant 16 : index
      %swap3A_379 = tpu.vector_load %arg8[%swap3A_376, %swap3A_377, %swap3A_378] {strides = array<i32>} : memref<4x64x128xf32, #tpu.memory_space<vmem>>, vector<1x1x16xf32>,
      %swap3A_380 = vector.shape_cast %swap3A_379 : vector<1x1x16xf32> to vector<16xf32>
      %swap3A_381 = vector.shape_cast %get3A_374 : vector<16xf32> to vector<1x1x16xf32>
      tpu.vector_store %arg8[%swap3A_376, %swap3A_377, %swap3A_378], %swap3A_381 {add = true, strides = array<i32>} : memref<4x64x128xf32, #tpu.memory_space<vmem>>, vector<1x1x16xf32>,
      %get3A_382 = arith.index_cast %scan3A_361 : i32 to index
      %get3A_383 = arith.constant 32 : index
      %get3A_384 = tpu.vector_load %arg9[%get3A_382, %get3A_383] {strides = array<i32>} : memref<64x128xf32, #tpu.memory_space<vmem>>, vector<1x16xf32>,
      %get3A_385 = vector.shape_cast %get3A_384 : vector<1x16xf32> to vector<16xf32>
      %swap3A_386 = arith.constant 1 : i32
      %swap3A_387 = arith.index_cast %swap3A_386 : i32 to index
      %swap3A_388 = arith.index_cast %scan3A_361 : i32 to index
      %swap3A_389 = arith.constant 32 : index
      %swap3A_390 = tpu.vector_load %arg8[%swap3A_387, %swap3A_388, %swap3A_389] {strides = array<i32>} : memref<4x64x128xf32, #tpu.memory_space<vmem>>, vector<1x1x16xf32>,
      %swap3A_391 = vector.shape_cast %swap3A_390 : vector<1x1x16xf32> to vector<16xf32>
      %swap3A_392 = vector.shape_cast %get3A_385 : vector<16xf32> to vector<1x1x16xf32>
      tpu.vector_store %arg8[%swap3A_387, %swap3A_388, %swap3A_389], %swap3A_392 {add = true, strides = array<i32>} : memref<4x64x128xf32, #tpu.memory_space<vmem>>, vector<1x1x16xf32>,
      %get3A_393 = arith.index_cast %scan3A_361 : i32 to index
      %get3A_394 = arith.constant 48 : index
      %get3A_395 = tpu.vector_load %arg9[%get3A_393, %get3A_394] {strides = array<i32>} : memref<64x128xf32, #tpu.memory_space<vmem>>, vector<1x16xf32>,
      %get3A_396 = vector.shape_cast %get3A_395 : vector<1x16xf32> to vector<16xf32>
      %swap3A_397 = arith.constant 1 : i32
      %swap3A_398 = arith.index_cast %swap3A_397 : i32 to index
      %swap3A_399 = arith.index_cast %scan3A_361 : i32 to index
      %swap3A_400 = arith.constant 48 : index
      %swap3A_401 = tpu.vector_load %arg8[%swap3A_398, %swap3A_399, %swap3A_400] {strides = array<i32>} : memref<4x64x128xf32, #tpu.memory_space<vmem>>, vector<1x1x16xf32>,
      %swap3A_402 = vector.shape_cast %swap3A_401 : vector<1x1x16xf32> to vector<16xf32>
      %swap3A_403 = vector.shape_cast %get3A_396 : vector<16xf32> to vector<1x1x16xf32>
      tpu.vector_store %arg8[%swap3A_398, %swap3A_399, %swap3A_400], %swap3A_403 {add = true, strides = array<i32>} : memref<4x64x128xf32, #tpu.memory_space<vmem>>, vector<1x1x16xf32>,
      %get3A_404 = arith.index_cast %scan3A_361 : i32 to index
      %get3A_405 = arith.constant 64 : index
      %get3A_406 = tpu.vector_load %arg9[%get3A_404, %get3A_405] {strides = array<i32>} : memref<64x128xf32, #tpu.memory_space<vmem>>, vector<1x16xf32>,
      %get3A_407 = vector.shape_cast %get3A_406 : vector<1x16xf32> to vector<16xf32>
      %swap3A_408 = arith.constant 1 : i32
      %swap3A_409 = arith.index_cast %swap3A_408 : i32 to index
      %swap3A_410 = arith.index_cast %scan3A_361 : i32 to index
      %swap3A_411 = arith.constant 64 : index
      %swap3A_412 = tpu.vector_load %arg8[%swap3A_409, %swap3A_410, %swap3A_411] {strides = array<i32>} : memref<4x64x128xf32, #tpu.memory_space<vmem>>, vector<1x1x16xf32>,
      %swap3A_413 = vector.shape_cast %swap3A_412 : vector<1x1x16xf32> to vector<16xf32>
      %swap3A_414 = vector.shape_cast %get3A_407 : vector<16xf32> to vector<1x1x16xf32>
      tpu.vector_store %arg8[%swap3A_409, %swap3A_410, %swap3A_411], %swap3A_414 {add = true, strides = array<i32>} : memref<4x64x128xf32, #tpu.memory_space<vmem>>, vector<1x1x16xf32>,
      %get3A_415 = arith.index_cast %scan3A_361 : i32 to index
      %get3A_416 = arith.constant 80 : index
      %get3A_417 = tpu.vector_load %arg9[%get3A_415, %get3A_416] {strides = array<i32>} : memref<64x128xf32, #tpu.memory_space<vmem>>, vector<1x16xf32>,
      %get3A_418 = vector.shape_cast %get3A_417 : vector<1x16xf32> to vector<16xf32>
      %swap3A_419 = arith.constant 1 : i32
      %swap3A_420 = arith.index_cast %swap3A_419 : i32 to index
      %swap3A_421 = arith.index_cast %scan3A_361 : i32 to index
      %swap3A_422 = arith.constant 80 : index
      %swap3A_423 = tpu.vector_load %arg8[%swap3A_420, %swap3A_421, %swap3A_422] {strides = array<i32>} : memref<4x64x128xf32, #tpu.memory_space<vmem>>, vector<1x1x16xf32>,
      %swap3A_424 = vector.shape_cast %swap3A_423 : vector<1x1x16xf32> to vector<16xf32>
      %swap3A_425 = vector.shape_cast %get3A_418 : vector<16xf32> to vector<1x1x16xf32>
      tpu.vector_store %arg8[%swap3A_420, %swap3A_421, %swap3A_422], %swap3A_425 {add = true, strides = array<i32>} : memref<4x64x128xf32, #tpu.memory_space<vmem>>, vector<1x1x16xf32>,
      %get3A_426 = arith.index_cast %scan3A_361 : i32 to index
      %get3A_427 = arith.constant 96 : index
      %get3A_428 = tpu.vector_load %arg9[%get3A_426, %get3A_427] {strides = array<i32>} : memref<64x128xf32, #tpu.memory_space<vmem>>, vector<1x16xf32>,
      %get3A_429 = vector.shape_cast %get3A_428 : vector<1x16xf32> to vector<16xf32>
      %swap3A_430 = arith.constant 1 : i32
      %swap3A_431 = arith.index_cast %swap3A_430 : i32 to index
      %swap3A_432 = arith.index_cast %scan3A_361 : i32 to index
      %swap3A_433 = arith.constant 96 : index
      %swap3A_434 = tpu.vector_load %arg8[%swap3A_431, %swap3A_432, %swap3A_433] {strides = array<i32>} : memref<4x64x128xf32, #tpu.memory_space<vmem>>, vector<1x1x16xf32>,
      %swap3A_435 = vector.shape_cast %swap3A_434 : vector<1x1x16xf32> to vector<16xf32>
      %swap3A_436 = vector.shape_cast %get3A_429 : vector<16xf32> to vector<1x1x16xf32>
      tpu.vector_store %arg8[%swap3A_431, %swap3A_432, %swap3A_433], %swap3A_436 {add = true, strides = array<i32>} : memref<4x64x128xf32, #tpu.memory_space<vmem>>, vector<1x1x16xf32>,
      %get3A_437 = arith.index_cast %scan3A_361 : i32 to index
      %get3A_438 = arith.constant 112 : index
      %get3A_439 = tpu.vector_load %arg9[%get3A_437, %get3A_438] {strides = array<i32>} : memref<64x128xf32, #tpu.memory_space<vmem>>, vector<1x16xf32>,
      %get3A_440 = vector.shape_cast %get3A_439 : vector<1x16xf32> to vector<16xf32>
      %swap3A_441 = arith.constant 1 : i32
      %swap3A_442 = arith.index_cast %swap3A_441 : i32 to index
      %swap3A_443 = arith.index_cast %scan3A_361 : i32 to index
      %swap3A_444 = arith.constant 112 : index
      %swap3A_445 = tpu.vector_load %arg8[%swap3A_442, %swap3A_443, %swap3A_444] {strides = array<i32>} : memref<4x64x128xf32, #tpu.memory_space<vmem>>, vector<1x1x16xf32>,
      %swap3A_446 = vector.shape_cast %swap3A_445 : vector<1x1x16xf32> to vector<16xf32>
      %swap3A_447 = vector.shape_cast %get3A_440 : vector<16xf32> to vector<1x1x16xf32>
      tpu.vector_store %arg8[%swap3A_442, %swap3A_443, %swap3A_444], %swap3A_447 {add = true, strides = array<i32>} : memref<4x64x128xf32, #tpu.memory_space<vmem>>, vector<1x1x16xf32>,
    }
    %scan3A_208 = arith.constant 64 : i32
    %add3A_209 = arith.constant 8 : i32
    %add3A_210 = arith.addi %add3A_209, %mul3A_2 : i32
    %dma_start3A_211 = arith.constant 1 : i32
    %dma_start3A_212 = arith.constant 1 : i32
    %dma_start3A_213 = arith.constant 0 : i32
    %dma_start3A_214 = arith.constant 0 : i32
    %dma_start3A_215 = tpu.memref_slice %arg8[%dma_start3A_211, %dma_start3A_213, %dma_start3A_214] : memref<4x64x128xf32, #tpu.memory_space<vmem>> -> memref<1x64x128xf32, #tpu.memory_space<vmem>>
    %dma_start3A_216 = tpu.memref_squeeze %dma_start3A_215 : memref<1x64x128xf32, #tpu.memory_space<vmem>> -> memref<64x128xf32, #tpu.memory_space<vmem>>
    %dma_start3A_217 = arith.constant 0 : i32
    %dma_start3A_218 = tpu.memref_slice %arg6[%dma_start3A_212, %add3A_210, %dma_start3A_217] : memref<4x2056x128xf32, #tpu.memory_space<hbm>> -> memref<1x64x128xf32, #tpu.memory_space<hbm>>
    %dma_start3A_219 = tpu.memref_squeeze %dma_start3A_218 : memref<1x64x128xf32, #tpu.memory_space<hbm>> -> memref<64x128xf32, #tpu.memory_space<hbm>>
    %dma_start3A_220 = arith.constant 0 : i32
    %dma_start3A_221 = tpu.memref_slice %arg6[%dma_start3A_212, %add3A_210, %dma_start3A_220] : memref<4x2056x128xf32, #tpu.memory_space<hbm>> -> memref<1x64x128xf32, #tpu.memory_space<hbm>>
    %dma_start3A_222 = tpu.memref_squeeze %dma_start3A_221 : memref<1x64x128xf32, #tpu.memory_space<hbm>> -> memref<64x128xf32, #tpu.memory_space<hbm>>
    %dma_start3A_223 = arith.constant 0 : i32
    %dma_start3A_224 = arith.constant 0 : i32
    %dma_start3A_225 = tpu.memref_slice %arg8[%dma_start3A_211, %dma_start3A_223, %dma_start3A_224] : memref<4x64x128xf32, #tpu.memory_space<vmem>> -> memref<1x64x128xf32, #tpu.memory_space<vmem>>
    %dma_start3A_226 = tpu.memref_squeeze %dma_start3A_225 : memref<1x64x128xf32, #tpu.memory_space<vmem>> -> memref<64x128xf32, #tpu.memory_space<vmem>>
    tpu.enqueue_dma source(%dma_start3A_226 : memref<64x128xf32, #tpu.memory_space<vmem>>) target(%dma_start3A_222 : memref<64x128xf32, #tpu.memory_space<hbm>>) target_semaphore(%arg13 : memref<!tpu.dma_semaphore, #tpu.memory_space<semaphore_mem>>)
    %dma_wait3A_227 = arith.constant 2 : i32
    %dma_wait3A_228 = arith.constant 2 : i32
    %dma_wait3A_229 = arith.constant 0 : i32
    %dma_wait3A_230 = arith.constant 0 : i32
    %dma_wait3A_231 = tpu.memref_slice %arg8[%dma_wait3A_228, %dma_wait3A_229, %dma_wait3A_230] : memref<4x64x128xf32, #tpu.memory_space<vmem>> -> memref<1x64x128xf32, #tpu.memory_space<vmem>>
    %dma_wait3A_232 = tpu.memref_squeeze %dma_wait3A_231 : memref<1x64x128xf32, #tpu.memory_space<vmem>> -> memref<64x128xf32, #tpu.memory_space<vmem>>
    %dma_wait3A_233 = arith.constant 0 : i32
    %dma_wait3A_234 = tpu.memref_slice %arg7[%dma_wait3A_227, %dma_wait3A_233] : memref<4x64xi32, #tpu.memory_space<vmem>> -> memref<1x64xi32, #tpu.memory_space<vmem>>
    %dma_wait3A_235 = tpu.memref_squeeze %dma_wait3A_234 : memref<1x64xi32, #tpu.memory_space<vmem>> -> memref<64xi32, #tpu.memory_space<vmem>>
    %dma_wait3A_236 = arith.constant 0 : i32
    %dma_wait3A_237 = arith.constant 0 : i32
    %dma_wait3A_238 = tpu.memref_slice %arg3[%dma_wait3A_236, %dma_wait3A_237] : memref<100000x128xf32, #tpu.memory_space<hbm>> -> memref<100000x128xf32, #tpu.memory_space<hbm>>
    tpu.wait_indirect_dma semaphore(%arg12 : memref<!tpu.dma_semaphore, #tpu.memory_space<semaphore_mem>>) src(%dma_wait3A_238 : memref<100000x128xf32, #tpu.memory_space<hbm>>) dst(%dma_wait3A_232 : memref<64x128xf32, #tpu.memory_space<vmem>>)
    %scan3A_239 = arith.constant 0 : i32
    %scan3A_240 = arith.constant 64 : i32
    %scan3A_241 = arith.addi %scan3A_239, %scan3A_240 : i32
    %scan3A_242 = arith.constant 1 : i32
    scf.for %scan3A_361 = %scan3A_239 to %scan3A_241 step %scan3A_242  : i32 {
      %get3A = arith.index_cast %scan3A_361 : i32 to index
      %get3A_362 = arith.constant 0 : index
      %get3A_363 = tpu.vector_load %arg9[%get3A, %get3A_362] {strides = array<i32>} : memref<64x128xf32, #tpu.memory_space<vmem>>, vector<1x16xf32>,
      %get3A_364 = vector.shape_cast %get3A_363 : vector<1x16xf32> to vector<16xf32>
      %swap3A = arith.constant 2 : i32
      %swap3A_365 = arith.index_cast %swap3A : i32 to index
      %swap3A_366 = arith.index_cast %scan3A_361 : i32 to index
      %swap3A_367 = arith.constant 0 : index
      %swap3A_368 = tpu.vector_load %arg8[%swap3A_365, %swap3A_366, %swap3A_367] {strides = array<i32>} : memref<4x64x128xf32, #tpu.memory_space<vmem>>, vector<1x1x16xf32>,
      %swap3A_369 = vector.shape_cast %swap3A_368 : vector<1x1x16xf32> to vector<16xf32>
      %swap3A_370 = vector.shape_cast %get3A_364 : vector<16xf32> to vector<1x1x16xf32>
      tpu.vector_store %arg8[%swap3A_365, %swap3A_366, %swap3A_367], %swap3A_370 {add = true, strides = array<i32>} : memref<4x64x128xf32, #tpu.memory_space<vmem>>, vector<1x1x16xf32>,
      %get3A_371 = arith.index_cast %scan3A_361 : i32 to index
      %get3A_372 = arith.constant 16 : index
      %get3A_373 = tpu.vector_load %arg9[%get3A_371, %get3A_372] {strides = array<i32>} : memref<64x128xf32, #tpu.memory_space<vmem>>, vector<1x16xf32>,
      %get3A_374 = vector.shape_cast %get3A_373 : vector<1x16xf32> to vector<16xf32>
      %swap3A_375 = arith.constant 2 : i32
      %swap3A_376 = arith.index_cast %swap3A_375 : i32 to index
      %swap3A_377 = arith.index_cast %scan3A_361 : i32 to index
      %swap3A_378 = arith.constant 16 : index
      %swap3A_379 = tpu.vector_load %arg8[%swap3A_376, %swap3A_377, %swap3A_378] {strides = array<i32>} : memref<4x64x128xf32, #tpu.memory_space<vmem>>, vector<1x1x16xf32>,
      %swap3A_380 = vector.shape_cast %swap3A_379 : vector<1x1x16xf32> to vector<16xf32>
      %swap3A_381 = vector.shape_cast %get3A_374 : vector<16xf32> to vector<1x1x16xf32>
      tpu.vector_store %arg8[%swap3A_376, %swap3A_377, %swap3A_378], %swap3A_381 {add = true, strides = array<i32>} : memref<4x64x128xf32, #tpu.memory_space<vmem>>, vector<1x1x16xf32>,
      %get3A_382 = arith.index_cast %scan3A_361 : i32 to index
      %get3A_383 = arith.constant 32 : index
      %get3A_384 = tpu.vector_load %arg9[%get3A_382, %get3A_383] {strides = array<i32>} : memref<64x128xf32, #tpu.memory_space<vmem>>, vector<1x16xf32>,
      %get3A_385 = vector.shape_cast %get3A_384 : vector<1x16xf32> to vector<16xf32>
      %swap3A_386 = arith.constant 2 : i32
      %swap3A_387 = arith.index_cast %swap3A_386 : i32 to index
      %swap3A_388 = arith.index_cast %scan3A_361 : i32 to index
      %swap3A_389 = arith.constant 32 : index
      %swap3A_390 = tpu.vector_load %arg8[%swap3A_387, %swap3A_388, %swap3A_389] {strides = array<i32>} : memref<4x64x128xf32, #tpu.memory_space<vmem>>, vector<1x1x16xf32>,
      %swap3A_391 = vector.shape_cast %swap3A_390 : vector<1x1x16xf32> to vector<16xf32>
      %swap3A_392 = vector.shape_cast %get3A_385 : vector<16xf32> to vector<1x1x16xf32>
      tpu.vector_store %arg8[%swap3A_387, %swap3A_388, %swap3A_389], %swap3A_392 {add = true, strides = array<i32>} : memref<4x64x128xf32, #tpu.memory_space<vmem>>, vector<1x1x16xf32>,
      %get3A_393 = arith.index_cast %scan3A_361 : i32 to index
      %get3A_394 = arith.constant 48 : index
      %get3A_395 = tpu.vector_load %arg9[%get3A_393, %get3A_394] {strides = array<i32>} : memref<64x128xf32, #tpu.memory_space<vmem>>, vector<1x16xf32>,
      %get3A_396 = vector.shape_cast %get3A_395 : vector<1x16xf32> to vector<16xf32>
      %swap3A_397 = arith.constant 2 : i32
      %swap3A_398 = arith.index_cast %swap3A_397 : i32 to index
      %swap3A_399 = arith.index_cast %scan3A_361 : i32 to index
      %swap3A_400 = arith.constant 48 : index
      %swap3A_401 = tpu.vector_load %arg8[%swap3A_398, %swap3A_399, %swap3A_400] {strides = array<i32>} : memref<4x64x128xf32, #tpu.memory_space<vmem>>, vector<1x1x16xf32>,
      %swap3A_402 = vector.shape_cast %swap3A_401 : vector<1x1x16xf32> to vector<16xf32>
      %swap3A_403 = vector.shape_cast %get3A_396 : vector<16xf32> to vector<1x1x16xf32>
      tpu.vector_store %arg8[%swap3A_398, %swap3A_399, %swap3A_400], %swap3A_403 {add = true, strides = array<i32>} : memref<4x64x128xf32, #tpu.memory_space<vmem>>, vector<1x1x16xf32>,
      %get3A_404 = arith.index_cast %scan3A_361 : i32 to index
      %get3A_405 = arith.constant 64 : index
      %get3A_406 = tpu.vector_load %arg9[%get3A_404, %get3A_405] {strides = array<i32>} : memref<64x128xf32, #tpu.memory_space<vmem>>, vector<1x16xf32>,
      %get3A_407 = vector.shape_cast %get3A_406 : vector<1x16xf32> to vector<16xf32>
      %swap3A_408 = arith.constant 2 : i32
      %swap3A_409 = arith.index_cast %swap3A_408 : i32 to index
      %swap3A_410 = arith.index_cast %scan3A_361 : i32 to index
      %swap3A_411 = arith.constant 64 : index
      %swap3A_412 = tpu.vector_load %arg8[%swap3A_409, %swap3A_410, %swap3A_411] {strides = array<i32>} : memref<4x64x128xf32, #tpu.memory_space<vmem>>, vector<1x1x16xf32>,
      %swap3A_413 = vector.shape_cast %swap3A_412 : vector<1x1x16xf32> to vector<16xf32>
      %swap3A_414 = vector.shape_cast %get3A_407 : vector<16xf32> to vector<1x1x16xf32>
      tpu.vector_store %arg8[%swap3A_409, %swap3A_410, %swap3A_411], %swap3A_414 {add = true, strides = array<i32>} : memref<4x64x128xf32, #tpu.memory_space<vmem>>, vector<1x1x16xf32>,
      %get3A_415 = arith.index_cast %scan3A_361 : i32 to index
      %get3A_416 = arith.constant 80 : index
      %get3A_417 = tpu.vector_load %arg9[%get3A_415, %get3A_416] {strides = array<i32>} : memref<64x128xf32, #tpu.memory_space<vmem>>, vector<1x16xf32>,
      %get3A_418 = vector.shape_cast %get3A_417 : vector<1x16xf32> to vector<16xf32>
      %swap3A_419 = arith.constant 2 : i32
      %swap3A_420 = arith.index_cast %swap3A_419 : i32 to index
      %swap3A_421 = arith.index_cast %scan3A_361 : i32 to index
      %swap3A_422 = arith.constant 80 : index
      %swap3A_423 = tpu.vector_load %arg8[%swap3A_420, %swap3A_421, %swap3A_422] {strides = array<i32>} : memref<4x64x128xf32, #tpu.memory_space<vmem>>, vector<1x1x16xf32>,
      %swap3A_424 = vector.shape_cast %swap3A_423 : vector<1x1x16xf32> to vector<16xf32>
      %swap3A_425 = vector.shape_cast %get3A_418 : vector<16xf32> to vector<1x1x16xf32>
      tpu.vector_store %arg8[%swap3A_420, %swap3A_421, %swap3A_422], %swap3A_425 {add = true, strides = array<i32>} : memref<4x64x128xf32, #tpu.memory_space<vmem>>, vector<1x1x16xf32>,
      %get3A_426 = arith.index_cast %scan3A_361 : i32 to index
      %get3A_427 = arith.constant 96 : index
      %get3A_428 = tpu.vector_load %arg9[%get3A_426, %get3A_427] {strides = array<i32>} : memref<64x128xf32, #tpu.memory_space<vmem>>, vector<1x16xf32>,
      %get3A_429 = vector.shape_cast %get3A_428 : vector<1x16xf32> to vector<16xf32>
      %swap3A_430 = arith.constant 2 : i32
      %swap3A_431 = arith.index_cast %swap3A_430 : i32 to index
      %swap3A_432 = arith.index_cast %scan3A_361 : i32 to index
      %swap3A_433 = arith.constant 96 : index
      %swap3A_434 = tpu.vector_load %arg8[%swap3A_431, %swap3A_432, %swap3A_433] {strides = array<i32>} : memref<4x64x128xf32, #tpu.memory_space<vmem>>, vector<1x1x16xf32>,
      %swap3A_435 = vector.shape_cast %swap3A_434 : vector<1x1x16xf32> to vector<16xf32>
      %swap3A_436 = vector.shape_cast %get3A_429 : vector<16xf32> to vector<1x1x16xf32>
      tpu.vector_store %arg8[%swap3A_431, %swap3A_432, %swap3A_433], %swap3A_436 {add = true, strides = array<i32>} : memref<4x64x128xf32, #tpu.memory_space<vmem>>, vector<1x1x16xf32>,
      %get3A_437 = arith.index_cast %scan3A_361 : i32 to index
      %get3A_438 = arith.constant 112 : index
      %get3A_439 = tpu.vector_load %arg9[%get3A_437, %get3A_438] {strides = array<i32>} : memref<64x128xf32, #tpu.memory_space<vmem>>, vector<1x16xf32>,
      %get3A_440 = vector.shape_cast %get3A_439 : vector<1x16xf32> to vector<16xf32>
      %swap3A_441 = arith.constant 2 : i32
      %swap3A_442 = arith.index_cast %swap3A_441 : i32 to index
      %swap3A_443 = arith.index_cast %scan3A_361 : i32 to index
      %swap3A_444 = arith.constant 112 : index
      %swap3A_445 = tpu.vector_load %arg8[%swap3A_442, %swap3A_443, %swap3A_444] {strides = array<i32>} : memref<4x64x128xf32, #tpu.memory_space<vmem>>, vector<1x1x16xf32>,
      %swap3A_446 = vector.shape_cast %swap3A_445 : vector<1x1x16xf32> to vector<16xf32>
      %swap3A_447 = vector.shape_cast %get3A_440 : vector<16xf32> to vector<1x1x16xf32>
      tpu.vector_store %arg8[%swap3A_442, %swap3A_443, %swap3A_444], %swap3A_447 {add = true, strides = array<i32>} : memref<4x64x128xf32, #tpu.memory_space<vmem>>, vector<1x1x16xf32>,
    }
    %scan3A_243 = arith.constant 64 : i32
    %add3A_244 = arith.constant 8 : i32
    %add3A_245 = arith.addi %add3A_244, %mul3A_2 : i32
    %dma_start3A_246 = arith.constant 2 : i32
    %dma_start3A_247 = arith.constant 2 : i32
    %dma_start3A_248 = arith.constant 0 : i32
    %dma_start3A_249 = arith.constant 0 : i32
    %dma_start3A_250 = tpu.memref_slice %arg8[%dma_start3A_246, %dma_start3A_248, %dma_start3A_249] : memref<4x64x128xf32, #tpu.memory_space<vmem>> -> memref<1x64x128xf32, #tpu.memory_space<vmem>>
    %dma_start3A_251 = tpu.memref_squeeze %dma_start3A_250 : memref<1x64x128xf32, #tpu.memory_space<vmem>> -> memref<64x128xf32, #tpu.memory_space<vmem>>
    %dma_start3A_252 = arith.constant 0 : i32
    %dma_start3A_253 = tpu.memref_slice %arg6[%dma_start3A_247, %add3A_245, %dma_start3A_252] : memref<4x2056x128xf32, #tpu.memory_space<hbm>> -> memref<1x64x128xf32, #tpu.memory_space<hbm>>
    %dma_start3A_254 = tpu.memref_squeeze %dma_start3A_253 : memref<1x64x128xf32, #tpu.memory_space<hbm>> -> memref<64x128xf32, #tpu.memory_space<hbm>>
    %dma_start3A_255 = arith.constant 0 : i32
    %dma_start3A_256 = tpu.memref_slice %arg6[%dma_start3A_247, %add3A_245, %dma_start3A_255] : memref<4x2056x128xf32, #tpu.memory_space<hbm>> -> memref<1x64x128xf32, #tpu.memory_space<hbm>>
    %dma_start3A_257 = tpu.memref_squeeze %dma_start3A_256 : memref<1x64x128xf32, #tpu.memory_space<hbm>> -> memref<64x128xf32, #tpu.memory_space<hbm>>
    %dma_start3A_258 = arith.constant 0 : i32
    %dma_start3A_259 = arith.constant 0 : i32
    %dma_start3A_260 = tpu.memref_slice %arg8[%dma_start3A_246, %dma_start3A_258, %dma_start3A_259] : memref<4x64x128xf32, #tpu.memory_space<vmem>> -> memref<1x64x128xf32, #tpu.memory_space<vmem>>
    %dma_start3A_261 = tpu.memref_squeeze %dma_start3A_260 : memref<1x64x128xf32, #tpu.memory_space<vmem>> -> memref<64x128xf32, #tpu.memory_space<vmem>>
    tpu.enqueue_dma source(%dma_start3A_261 : memref<64x128xf32, #tpu.memory_space<vmem>>) target(%dma_start3A_257 : memref<64x128xf32, #tpu.memory_space<hbm>>) target_semaphore(%arg13 : memref<!tpu.dma_semaphore, #tpu.memory_space<semaphore_mem>>)
    %dma_wait3A_262 = arith.constant 3 : i32
    %dma_wait3A_263 = arith.constant 3 : i32
    %dma_wait3A_264 = arith.constant 0 : i32
    %dma_wait3A_265 = arith.constant 0 : i32
    %dma_wait3A_266 = tpu.memref_slice %arg8[%dma_wait3A_263, %dma_wait3A_264, %dma_wait3A_265] : memref<4x64x128xf32, #tpu.memory_space<vmem>> -> memref<1x64x128xf32, #tpu.memory_space<vmem>>
    %dma_wait3A_267 = tpu.memref_squeeze %dma_wait3A_266 : memref<1x64x128xf32, #tpu.memory_space<vmem>> -> memref<64x128xf32, #tpu.memory_space<vmem>>
    %dma_wait3A_268 = arith.constant 0 : i32
    %dma_wait3A_269 = tpu.memref_slice %arg7[%dma_wait3A_262, %dma_wait3A_268] : memref<4x64xi32, #tpu.memory_space<vmem>> -> memref<1x64xi32, #tpu.memory_space<vmem>>
    %dma_wait3A_270 = tpu.memref_squeeze %dma_wait3A_269 : memref<1x64xi32, #tpu.memory_space<vmem>> -> memref<64xi32, #tpu.memory_space<vmem>>
    %dma_wait3A_271 = arith.constant 0 : i32
    %dma_wait3A_272 = arith.constant 0 : i32
    %dma_wait3A_273 = tpu.memref_slice %arg3[%dma_wait3A_271, %dma_wait3A_272] : memref<100000x128xf32, #tpu.memory_space<hbm>> -> memref<100000x128xf32, #tpu.memory_space<hbm>>
    tpu.wait_indirect_dma semaphore(%arg12 : memref<!tpu.dma_semaphore, #tpu.memory_space<semaphore_mem>>) src(%dma_wait3A_273 : memref<100000x128xf32, #tpu.memory_space<hbm>>) dst(%dma_wait3A_267 : memref<64x128xf32, #tpu.memory_space<vmem>>)
    %scan3A_274 = arith.constant 0 : i32
    %scan3A_275 = arith.constant 64 : i32
    %scan3A_276 = arith.addi %scan3A_274, %scan3A_275 : i32
    %scan3A_277 = arith.constant 1 : i32
    scf.for %scan3A_361 = %scan3A_274 to %scan3A_276 step %scan3A_277  : i32 {
      %get3A = arith.index_cast %scan3A_361 : i32 to index
      %get3A_362 = arith.constant 0 : index
      %get3A_363 = tpu.vector_load %arg9[%get3A, %get3A_362] {strides = array<i32>} : memref<64x128xf32, #tpu.memory_space<vmem>>, vector<1x16xf32>,
      %get3A_364 = vector.shape_cast %get3A_363 : vector<1x16xf32> to vector<16xf32>
      %swap3A = arith.constant 3 : i32
      %swap3A_365 = arith.index_cast %swap3A : i32 to index
      %swap3A_366 = arith.index_cast %scan3A_361 : i32 to index
      %swap3A_367 = arith.constant 0 : index
      %swap3A_368 = tpu.vector_load %arg8[%swap3A_365, %swap3A_366, %swap3A_367] {strides = array<i32>} : memref<4x64x128xf32, #tpu.memory_space<vmem>>, vector<1x1x16xf32>,
      %swap3A_369 = vector.shape_cast %swap3A_368 : vector<1x1x16xf32> to vector<16xf32>
      %swap3A_370 = vector.shape_cast %get3A_364 : vector<16xf32> to vector<1x1x16xf32>
      tpu.vector_store %arg8[%swap3A_365, %swap3A_366, %swap3A_367], %swap3A_370 {add = true, strides = array<i32>} : memref<4x64x128xf32, #tpu.memory_space<vmem>>, vector<1x1x16xf32>,
      %get3A_371 = arith.index_cast %scan3A_361 : i32 to index
      %get3A_372 = arith.constant 16 : index
      %get3A_373 = tpu.vector_load %arg9[%get3A_371, %get3A_372] {strides = array<i32>} : memref<64x128xf32, #tpu.memory_space<vmem>>, vector<1x16xf32>,
      %get3A_374 = vector.shape_cast %get3A_373 : vector<1x16xf32> to vector<16xf32>
      %swap3A_375 = arith.constant 3 : i32
      %swap3A_376 = arith.index_cast %swap3A_375 : i32 to index
      %swap3A_377 = arith.index_cast %scan3A_361 : i32 to index
      %swap3A_378 = arith.constant 16 : index
      %swap3A_379 = tpu.vector_load %arg8[%swap3A_376, %swap3A_377, %swap3A_378] {strides = array<i32>} : memref<4x64x128xf32, #tpu.memory_space<vmem>>, vector<1x1x16xf32>,
      %swap3A_380 = vector.shape_cast %swap3A_379 : vector<1x1x16xf32> to vector<16xf32>
      %swap3A_381 = vector.shape_cast %get3A_374 : vector<16xf32> to vector<1x1x16xf32>
      tpu.vector_store %arg8[%swap3A_376, %swap3A_377, %swap3A_378], %swap3A_381 {add = true, strides = array<i32>} : memref<4x64x128xf32, #tpu.memory_space<vmem>>, vector<1x1x16xf32>,
      %get3A_382 = arith.index_cast %scan3A_361 : i32 to index
      %get3A_383 = arith.constant 32 : index
      %get3A_384 = tpu.vector_load %arg9[%get3A_382, %get3A_383] {strides = array<i32>} : memref<64x128xf32, #tpu.memory_space<vmem>>, vector<1x16xf32>,
      %get3A_385 = vector.shape_cast %get3A_384 : vector<1x16xf32> to vector<16xf32>
      %swap3A_386 = arith.constant 3 : i32
      %swap3A_387 = arith.index_cast %swap3A_386 : i32 to index
      %swap3A_388 = arith.index_cast %scan3A_361 : i32 to index
      %swap3A_389 = arith.constant 32 : index
      %swap3A_390 = tpu.vector_load %arg8[%swap3A_387, %swap3A_388, %swap3A_389] {strides = array<i32>} : memref<4x64x128xf32, #tpu.memory_space<vmem>>, vector<1x1x16xf32>,
      %swap3A_391 = vector.shape_cast %swap3A_390 : vector<1x1x16xf32> to vector<16xf32>
      %swap3A_392 = vector.shape_cast %get3A_385 : vector<16xf32> to vector<1x1x16xf32>
      tpu.vector_store %arg8[%swap3A_387, %swap3A_388, %swap3A_389], %swap3A_392 {add = true, strides = array<i32>} : memref<4x64x128xf32, #tpu.memory_space<vmem>>, vector<1x1x16xf32>,
      %get3A_393 = arith.index_cast %scan3A_361 : i32 to index
      %get3A_394 = arith.constant 48 : index
      %get3A_395 = tpu.vector_load %arg9[%get3A_393, %get3A_394] {strides = array<i32>} : memref<64x128xf32, #tpu.memory_space<vmem>>, vector<1x16xf32>,
      %get3A_396 = vector.shape_cast %get3A_395 : vector<1x16xf32> to vector<16xf32>
      %swap3A_397 = arith.constant 3 : i32
      %swap3A_398 = arith.index_cast %swap3A_397 : i32 to index
      %swap3A_399 = arith.index_cast %scan3A_361 : i32 to index
      %swap3A_400 = arith.constant 48 : index
      %swap3A_401 = tpu.vector_load %arg8[%swap3A_398, %swap3A_399, %swap3A_400] {strides = array<i32>} : memref<4x64x128xf32, #tpu.memory_space<vmem>>, vector<1x1x16xf32>,
      %swap3A_402 = vector.shape_cast %swap3A_401 : vector<1x1x16xf32> to vector<16xf32>
      %swap3A_403 = vector.shape_cast %get3A_396 : vector<16xf32> to vector<1x1x16xf32>
      tpu.vector_store %arg8[%swap3A_398, %swap3A_399, %swap3A_400], %swap3A_403 {add = true, strides = array<i32>} : memref<4x64x128xf32, #tpu.memory_space<vmem>>, vector<1x1x16xf32>,
      %get3A_404 = arith.index_cast %scan3A_361 : i32 to index
      %get3A_405 = arith.constant 64 : index
      %get3A_406 = tpu.vector_load %arg9[%get3A_404, %get3A_405] {strides = array<i32>} : memref<64x128xf32, #tpu.memory_space<vmem>>, vector<1x16xf32>,
      %get3A_407 = vector.shape_cast %get3A_406 : vector<1x16xf32> to vector<16xf32>
      %swap3A_408 = arith.constant 3 : i32
      %swap3A_409 = arith.index_cast %swap3A_408 : i32 to index
      %swap3A_410 = arith.index_cast %scan3A_361 : i32 to index
      %swap3A_411 = arith.constant 64 : index
      %swap3A_412 = tpu.vector_load %arg8[%swap3A_409, %swap3A_410, %swap3A_411] {strides = array<i32>} : memref<4x64x128xf32, #tpu.memory_space<vmem>>, vector<1x1x16xf32>,
      %swap3A_413 = vector.shape_cast %swap3A_412 : vector<1x1x16xf32> to vector<16xf32>
      %swap3A_414 = vector.shape_cast %get3A_407 : vector<16xf32> to vector<1x1x16xf32>
      tpu.vector_store %arg8[%swap3A_409, %swap3A_410, %swap3A_411], %swap3A_414 {add = true, strides = array<i32>} : memref<4x64x128xf32, #tpu.memory_space<vmem>>, vector<1x1x16xf32>,
      %get3A_415 = arith.index_cast %scan3A_361 : i32 to index
      %get3A_416 = arith.constant 80 : index
      %get3A_417 = tpu.vector_load %arg9[%get3A_415, %get3A_416] {strides = array<i32>} : memref<64x128xf32, #tpu.memory_space<vmem>>, vector<1x16xf32>,
      %get3A_418 = vector.shape_cast %get3A_417 : vector<1x16xf32> to vector<16xf32>
      %swap3A_419 = arith.constant 3 : i32
      %swap3A_420 = arith.index_cast %swap3A_419 : i32 to index
      %swap3A_421 = arith.index_cast %scan3A_361 : i32 to index
      %swap3A_422 = arith.constant 80 : index
      %swap3A_423 = tpu.vector_load %arg8[%swap3A_420, %swap3A_421, %swap3A_422] {strides = array<i32>} : memref<4x64x128xf32, #tpu.memory_space<vmem>>, vector<1x1x16xf32>,
      %swap3A_424 = vector.shape_cast %swap3A_423 : vector<1x1x16xf32> to vector<16xf32>
      %swap3A_425 = vector.shape_cast %get3A_418 : vector<16xf32> to vector<1x1x16xf32>
      tpu.vector_store %arg8[%swap3A_420, %swap3A_421, %swap3A_422], %swap3A_425 {add = true, strides = array<i32>} : memref<4x64x128xf32, #tpu.memory_space<vmem>>, vector<1x1x16xf32>,
      %get3A_426 = arith.index_cast %scan3A_361 : i32 to index
      %get3A_427 = arith.constant 96 : index
      %get3A_428 = tpu.vector_load %arg9[%get3A_426, %get3A_427] {strides = array<i32>} : memref<64x128xf32, #tpu.memory_space<vmem>>, vector<1x16xf32>,
      %get3A_429 = vector.shape_cast %get3A_428 : vector<1x16xf32> to vector<16xf32>
      %swap3A_430 = arith.constant 3 : i32
      %swap3A_431 = arith.index_cast %swap3A_430 : i32 to index
      %swap3A_432 = arith.index_cast %scan3A_361 : i32 to index
      %swap3A_433 = arith.constant 96 : index
      %swap3A_434 = tpu.vector_load %arg8[%swap3A_431, %swap3A_432, %swap3A_433] {strides = array<i32>} : memref<4x64x128xf32, #tpu.memory_space<vmem>>, vector<1x1x16xf32>,
      %swap3A_435 = vector.shape_cast %swap3A_434 : vector<1x1x16xf32> to vector<16xf32>
      %swap3A_436 = vector.shape_cast %get3A_429 : vector<16xf32> to vector<1x1x16xf32>
      tpu.vector_store %arg8[%swap3A_431, %swap3A_432, %swap3A_433], %swap3A_436 {add = true, strides = array<i32>} : memref<4x64x128xf32, #tpu.memory_space<vmem>>, vector<1x1x16xf32>,
      %get3A_437 = arith.index_cast %scan3A_361 : i32 to index
      %get3A_438 = arith.constant 112 : index
      %get3A_439 = tpu.vector_load %arg9[%get3A_437, %get3A_438] {strides = array<i32>} : memref<64x128xf32, #tpu.memory_space<vmem>>, vector<1x16xf32>,
      %get3A_440 = vector.shape_cast %get3A_439 : vector<1x16xf32> to vector<16xf32>
      %swap3A_441 = arith.constant 3 : i32
      %swap3A_442 = arith.index_cast %swap3A_441 : i32 to index
      %swap3A_443 = arith.index_cast %scan3A_361 : i32 to index
      %swap3A_444 = arith.constant 112 : index
      %swap3A_445 = tpu.vector_load %arg8[%swap3A_442, %swap3A_443, %swap3A_444] {strides = array<i32>} : memref<4x64x128xf32, #tpu.memory_space<vmem>>, vector<1x1x16xf32>,
      %swap3A_446 = vector.shape_cast %swap3A_445 : vector<1x1x16xf32> to vector<16xf32>
      %swap3A_447 = vector.shape_cast %get3A_440 : vector<16xf32> to vector<1x1x16xf32>
      tpu.vector_store %arg8[%swap3A_442, %swap3A_443, %swap3A_444], %swap3A_447 {add = true, strides = array<i32>} : memref<4x64x128xf32, #tpu.memory_space<vmem>>, vector<1x1x16xf32>,
    }
    %scan3A_278 = arith.constant 64 : i32
    %add3A_279 = arith.constant 8 : i32
    %add3A_280 = arith.addi %add3A_279, %mul3A_2 : i32
    %dma_start3A_281 = arith.constant 3 : i32
    %dma_start3A_282 = arith.constant 3 : i32
    %dma_start3A_283 = arith.constant 0 : i32
    %dma_start3A_284 = arith.constant 0 : i32
    %dma_start3A_285 = tpu.memref_slice %arg8[%dma_start3A_281, %dma_start3A_283, %dma_start3A_284] : memref<4x64x128xf32, #tpu.memory_space<vmem>> -> memref<1x64x128xf32, #tpu.memory_space<vmem>>
    %dma_start3A_286 = tpu.memref_squeeze %dma_start3A_285 : memref<1x64x128xf32, #tpu.memory_space<vmem>> -> memref<64x128xf32, #tpu.memory_space<vmem>>
    %dma_start3A_287 = arith.constant 0 : i32
    %dma_start3A_288 = tpu.memref_slice %arg6[%dma_start3A_282, %add3A_280, %dma_start3A_287] : memref<4x2056x128xf32, #tpu.memory_space<hbm>> -> memref<1x64x128xf32, #tpu.memory_space<hbm>>
    %dma_start3A_289 = tpu.memref_squeeze %dma_start3A_288 : memref<1x64x128xf32, #tpu.memory_space<hbm>> -> memref<64x128xf32, #tpu.memory_space<hbm>>
    %dma_start3A_290 = arith.constant 0 : i32
    %dma_start3A_291 = tpu.memref_slice %arg6[%dma_start3A_282, %add3A_280, %dma_start3A_290] : memref<4x2056x128xf32, #tpu.memory_space<hbm>> -> memref<1x64x128xf32, #tpu.memory_space<hbm>>
    %dma_start3A_292 = tpu.memref_squeeze %dma_start3A_291 : memref<1x64x128xf32, #tpu.memory_space<hbm>> -> memref<64x128xf32, #tpu.memory_space<hbm>>
    %dma_start3A_293 = arith.constant 0 : i32
    %dma_start3A_294 = arith.constant 0 : i32
    %dma_start3A_295 = tpu.memref_slice %arg8[%dma_start3A_281, %dma_start3A_293, %dma_start3A_294] : memref<4x64x128xf32, #tpu.memory_space<vmem>> -> memref<1x64x128xf32, #tpu.memory_space<vmem>>
    %dma_start3A_296 = tpu.memref_squeeze %dma_start3A_295 : memref<1x64x128xf32, #tpu.memory_space<vmem>> -> memref<64x128xf32, #tpu.memory_space<vmem>>
    tpu.enqueue_dma source(%dma_start3A_296 : memref<64x128xf32, #tpu.memory_space<vmem>>) target(%dma_start3A_292 : memref<64x128xf32, #tpu.memory_space<hbm>>) target_semaphore(%arg13 : memref<!tpu.dma_semaphore, #tpu.memory_space<semaphore_mem>>)
    %dma_wait3A_297 = arith.constant 0 : i32
    %dma_wait3A_298 = arith.constant 0 : i32
    %dma_wait3A_299 = arith.constant 0 : i32
    %dma_wait3A_300 = arith.constant 0 : i32
    %dma_wait3A_301 = tpu.memref_slice %arg8[%dma_wait3A_297, %dma_wait3A_299, %dma_wait3A_300] : memref<4x64x128xf32, #tpu.memory_space<vmem>> -> memref<1x64x128xf32, #tpu.memory_space<vmem>>
    %dma_wait3A_302 = tpu.memref_squeeze %dma_wait3A_301 : memref<1x64x128xf32, #tpu.memory_space<vmem>> -> memref<64x128xf32, #tpu.memory_space<vmem>>
    %dma_wait3A_303 = arith.constant 0 : i32
    %dma_wait3A_304 = tpu.memref_slice %arg6[%dma_wait3A_298, %add3A_175, %dma_wait3A_303] : memref<4x2056x128xf32, #tpu.memory_space<hbm>> -> memref<1x64x128xf32, #tpu.memory_space<hbm>>
    %dma_wait3A_305 = tpu.memref_squeeze %dma_wait3A_304 : memref<1x64x128xf32, #tpu.memory_space<hbm>> -> memref<64x128xf32, #tpu.memory_space<hbm>>
    %dma_wait3A_306 = arith.constant 0 : i32
    %dma_wait3A_307 = tpu.memref_slice %arg6[%dma_wait3A_298, %add3A_175, %dma_wait3A_306] : memref<4x2056x128xf32, #tpu.memory_space<hbm>> -> memref<1x64x128xf32, #tpu.memory_space<hbm>>
    %dma_wait3A_308 = tpu.memref_squeeze %dma_wait3A_307 : memref<1x64x128xf32, #tpu.memory_space<hbm>> -> memref<64x128xf32, #tpu.memory_space<hbm>>
    %dma_wait3A_309 = arith.constant 0 : i32
    %dma_wait3A_310 = arith.constant 0 : i32
    %dma_wait3A_311 = tpu.memref_slice %arg8[%dma_wait3A_297, %dma_wait3A_309, %dma_wait3A_310] : memref<4x64x128xf32, #tpu.memory_space<vmem>> -> memref<1x64x128xf32, #tpu.memory_space<vmem>>
    %dma_wait3A_312 = tpu.memref_squeeze %dma_wait3A_311 : memref<1x64x128xf32, #tpu.memory_space<vmem>> -> memref<64x128xf32, #tpu.memory_space<vmem>>
    tpu.wait_dma2 semaphore(%arg13 : memref<!tpu.dma_semaphore, #tpu.memory_space<semaphore_mem>>) src(%dma_wait3A_312 : memref<64x128xf32, #tpu.memory_space<vmem>>) dst(%dma_wait3A_308 : memref<64x128xf32, #tpu.memory_space<hbm>>)
    %dma_wait3A_313 = arith.constant 1 : i32
    %dma_wait3A_314 = arith.constant 1 : i32
    %dma_wait3A_315 = arith.constant 0 : i32
    %dma_wait3A_316 = arith.constant 0 : i32
    %dma_wait3A_317 = tpu.memref_slice %arg8[%dma_wait3A_313, %dma_wait3A_315, %dma_wait3A_316] : memref<4x64x128xf32, #tpu.memory_space<vmem>> -> memref<1x64x128xf32, #tpu.memory_space<vmem>>
    %dma_wait3A_318 = tpu.memref_squeeze %dma_wait3A_317 : memref<1x64x128xf32, #tpu.memory_space<vmem>> -> memref<64x128xf32, #tpu.memory_space<vmem>>
    %dma_wait3A_319 = arith.constant 0 : i32
    %dma_wait3A_320 = tpu.memref_slice %arg6[%dma_wait3A_314, %add3A_210, %dma_wait3A_319] : memref<4x2056x128xf32, #tpu.memory_space<hbm>> -> memref<1x64x128xf32, #tpu.memory_space<hbm>>
    %dma_wait3A_321 = tpu.memref_squeeze %dma_wait3A_320 : memref<1x64x128xf32, #tpu.memory_space<hbm>> -> memref<64x128xf32, #tpu.memory_space<hbm>>
    %dma_wait3A_322 = arith.constant 0 : i32
    %dma_wait3A_323 = tpu.memref_slice %arg6[%dma_wait3A_314, %add3A_210, %dma_wait3A_322] : memref<4x2056x128xf32, #tpu.memory_space<hbm>> -> memref<1x64x128xf32, #tpu.memory_space<hbm>>
    %dma_wait3A_324 = tpu.memref_squeeze %dma_wait3A_323 : memref<1x64x128xf32, #tpu.memory_space<hbm>> -> memref<64x128xf32, #tpu.memory_space<hbm>>
    %dma_wait3A_325 = arith.constant 0 : i32
    %dma_wait3A_326 = arith.constant 0 : i32
    %dma_wait3A_327 = tpu.memref_slice %arg8[%dma_wait3A_313, %dma_wait3A_325, %dma_wait3A_326] : memref<4x64x128xf32, #tpu.memory_space<vmem>> -> memref<1x64x128xf32, #tpu.memory_space<vmem>>
    %dma_wait3A_328 = tpu.memref_squeeze %dma_wait3A_327 : memref<1x64x128xf32, #tpu.memory_space<vmem>> -> memref<64x128xf32, #tpu.memory_space<vmem>>
    tpu.wait_dma2 semaphore(%arg13 : memref<!tpu.dma_semaphore, #tpu.memory_space<semaphore_mem>>) src(%dma_wait3A_328 : memref<64x128xf32, #tpu.memory_space<vmem>>) dst(%dma_wait3A_324 : memref<64x128xf32, #tpu.memory_space<hbm>>)
    %dma_wait3A_329 = arith.constant 2 : i32
    %dma_wait3A_330 = arith.constant 2 : i32
    %dma_wait3A_331 = arith.constant 0 : i32
    %dma_wait3A_332 = arith.constant 0 : i32
    %dma_wait3A_333 = tpu.memref_slice %arg8[%dma_wait3A_329, %dma_wait3A_331, %dma_wait3A_332] : memref<4x64x128xf32, #tpu.memory_space<vmem>> -> memref<1x64x128xf32, #tpu.memory_space<vmem>>
    %dma_wait3A_334 = tpu.memref_squeeze %dma_wait3A_333 : memref<1x64x128xf32, #tpu.memory_space<vmem>> -> memref<64x128xf32, #tpu.memory_space<vmem>>
    %dma_wait3A_335 = arith.constant 0 : i32
    %dma_wait3A_336 = tpu.memref_slice %arg6[%dma_wait3A_330, %add3A_245, %dma_wait3A_335] : memref<4x2056x128xf32, #tpu.memory_space<hbm>> -> memref<1x64x128xf32, #tpu.memory_space<hbm>>
    %dma_wait3A_337 = tpu.memref_squeeze %dma_wait3A_336 : memref<1x64x128xf32, #tpu.memory_space<hbm>> -> memref<64x128xf32, #tpu.memory_space<hbm>>
    %dma_wait3A_338 = arith.constant 0 : i32
    %dma_wait3A_339 = tpu.memref_slice %arg6[%dma_wait3A_330, %add3A_245, %dma_wait3A_338] : memref<4x2056x128xf32, #tpu.memory_space<hbm>> -> memref<1x64x128xf32, #tpu.memory_space<hbm>>
    %dma_wait3A_340 = tpu.memref_squeeze %dma_wait3A_339 : memref<1x64x128xf32, #tpu.memory_space<hbm>> -> memref<64x128xf32, #tpu.memory_space<hbm>>
    %dma_wait3A_341 = arith.constant 0 : i32
    %dma_wait3A_342 = arith.constant 0 : i32
    %dma_wait3A_343 = tpu.memref_slice %arg8[%dma_wait3A_329, %dma_wait3A_341, %dma_wait3A_342] : memref<4x64x128xf32, #tpu.memory_space<vmem>> -> memref<1x64x128xf32, #tpu.memory_space<vmem>>
    %dma_wait3A_344 = tpu.memref_squeeze %dma_wait3A_343 : memref<1x64x128xf32, #tpu.memory_space<vmem>> -> memref<64x128xf32, #tpu.memory_space<vmem>>
    tpu.wait_dma2 semaphore(%arg13 : memref<!tpu.dma_semaphore, #tpu.memory_space<semaphore_mem>>) src(%dma_wait3A_344 : memref<64x128xf32, #tpu.memory_space<vmem>>) dst(%dma_wait3A_340 : memref<64x128xf32, #tpu.memory_space<hbm>>)
    %dma_wait3A_345 = arith.constant 3 : i32
    %dma_wait3A_346 = arith.constant 3 : i32
    %dma_wait3A_347 = arith.constant 0 : i32
    %dma_wait3A_348 = arith.constant 0 : i32
    %dma_wait3A_349 = tpu.memref_slice %arg8[%dma_wait3A_345, %dma_wait3A_347, %dma_wait3A_348] : memref<4x64x128xf32, #tpu.memory_space<vmem>> -> memref<1x64x128xf32, #tpu.memory_space<vmem>>
    %dma_wait3A_350 = tpu.memref_squeeze %dma_wait3A_349 : memref<1x64x128xf32, #tpu.memory_space<vmem>> -> memref<64x128xf32, #tpu.memory_space<vmem>>
    %dma_wait3A_351 = arith.constant 0 : i32
    %dma_wait3A_352 = tpu.memref_slice %arg6[%dma_wait3A_346, %add3A_280, %dma_wait3A_351] : memref<4x2056x128xf32, #tpu.memory_space<hbm>> -> memref<1x64x128xf32, #tpu.memory_space<hbm>>
    %dma_wait3A_353 = tpu.memref_squeeze %dma_wait3A_352 : memref<1x64x128xf32, #tpu.memory_space<hbm>> -> memref<64x128xf32, #tpu.memory_space<hbm>>
    %dma_wait3A_354 = arith.constant 0 : i32
    %dma_wait3A_355 = tpu.memref_slice %arg6[%dma_wait3A_346, %add3A_280, %dma_wait3A_354] : memref<4x2056x128xf32, #tpu.memory_space<hbm>> -> memref<1x64x128xf32, #tpu.memory_space<hbm>>
    %dma_wait3A_356 = tpu.memref_squeeze %dma_wait3A_355 : memref<1x64x128xf32, #tpu.memory_space<hbm>> -> memref<64x128xf32, #tpu.memory_space<hbm>>
    %dma_wait3A_357 = arith.constant 0 : i32
    %dma_wait3A_358 = arith.constant 0 : i32
    %dma_wait3A_359 = tpu.memref_slice %arg8[%dma_wait3A_345, %dma_wait3A_357, %dma_wait3A_358] : memref<4x64x128xf32, #tpu.memory_space<vmem>> -> memref<1x64x128xf32, #tpu.memory_space<vmem>>
    %dma_wait3A_360 = tpu.memref_squeeze %dma_wait3A_359 : memref<1x64x128xf32, #tpu.memory_space<vmem>> -> memref<64x128xf32, #tpu.memory_space<vmem>>
    tpu.wait_dma2 semaphore(%arg13 : memref<!tpu.dma_semaphore, #tpu.memory_space<semaphore_mem>>) src(%dma_wait3A_360 : memref<64x128xf32, #tpu.memory_space<vmem>>) dst(%dma_wait3A_356 : memref<64x128xf32, #tpu.memory_space<hbm>>)
    return
  }
}

</mosaic_0001>

<sc_bundles>
// kernel: kernel.3.cloned.1.call-start
scs
__scs_entry_jumppad:
0x0: {  	(pc) =	sbr.rel $0x88, $3  }
0x1: {  	(tag) =	ssettag $0x0;
	lr =	simm.s32 $0x1  }
0x2: {  	[smem:$0x3F9D] =	sst lr;
	_ =	strace $0xD0000000  }
0x3: {  	_ = 	snop  }
0x4: {  	_ = 	snop  }
0x5: {  	_ = 	snop  }
0x6: {  	_ = 	snop  }
0x7: {  	_ = 	snop  }
__scs_overlays_trampoline_lowered:
0x8: {  	[smem:$0x3FAC] =	sst s0  }
0x9: {  	[smem:$0x3FAD] =	sst s1  }
0xa: {  	[smem:$0x3FAE] =	sst s2  }
0xb: {  	[smem:$0x3FAF] =	sst s3  }
0xc: {  	[smem:$0x3FB0] =	sst s4  }
0xd: {  	[smem:$0x3FB1] =	sst s5  }
0xe: {  	[smem:$0x3FB2] =	sst s6  }
0xf: {  	[smem:$0x3FB3] =	sst s7  }
0x10: {  	[smem:$0x3FB4] =	sst s8  }
0x11: {  	[smem:$0x3FB5] =	sst s9;
	s0 =	simm.s32 @!p0 $0x0  }
0x12: {  	s1 =	sld [smem:$0x3F9B];
	s0 =	simm.s32 @p0 $0x1  }
0x13: {  	[smem:$0x3FB6] =	sst s0;
	s0 =	simm.s32 @!p1 $0x0  }
0x14: {  	s2 =	sld [smem:$0x3F9A];
	s0 =	simm.s32 @p1 $0x1  }
0x15: {  	[smem:$0x3FB7] =	sst s0;
	s0 =	simm.s32 @!p2 $0x0  }
0x16: {  	s3 =	sld [smem:$0x3FDB];
	s0 =	simm.s32 @p2 $0x1  }
0x17: {  	s4 =	simm.s32 $0x1BF5;
	[smem:$0x3FB9] =	sst s0  }
0x18: {  	s0 =	sld [smem:$0x3F9C];
	_ =	swait.ge [sflag:s4], $0x0  }
0x19: {  	s7 =	sld [smem:$0x3F9D]  }
0x1a: {  	s8 =	sadd.s32 $0xFFFFE003, lr  }
0x1b: {  	s9 =	sadd.s32 $0xFFFFFEF7, lr;
	s5 =	simm.s32 $0xFFFFFFFF;
	p2 =	slt.u32 s8, $0xFFFFF086  }
0x1c: {  	p1 =	slt.u32 s9, $0xF7A;
	s5 =	simm.s32 @!p2 $0x0  }
0x1d: {  	s5 =	simm.s32 @p1 $0x1;
	p0 =	seq.s32 s7, s2  }
0x1e: {  	s7 =	smul.u32 @!p0 $0xF7A, s2;
	p2 =	seq.s32 @!p0 s5, $0x0  }
0x1f: {  	s9 =	smul.u32 $0xF7A, s1;
	s8 =	simm.s32 @!p0 $0x1BF5;
	p2 =	por !p2, p0  }
0x20: {  	[sflag:s8] =	ssyncset.s32 @!p0 $0xFFFFF086;
	s6 =	sadd.s32 @!p0 s3, s7;
	s7 =	simm.s32 @!p0 $0x108  }
0x21: {  	s3 =	sadd.s32 s3, s9;
	s6 =	sadd.s32 @!p0 $0x88, s6;
	s7 =	simm.s32 @p2 $0x1082  }
0x22: {  	[simem:s7], [sflag:s8] =	dma.local @!p0 [hbm:s6], $0xF7A  }
0x23: {  	s9 =	sor.u32 $0xD0000000, s2;
	s6 =	simm.s32 $0x108;
	_ =	swait.ge @!p0 [sflag:s8], $0x0  }
0x24: {  	s3 =	sadd.s32 $0x88, s3;
	s6 =	simm.s32 @!p1 $0x1082;
	[sflag:s4] =	ssyncset.s32 $0xFFFFF086  }
0x25: {  	[simem:s6], [sflag:s4] =	dma.local [hbm:s3], $0xF7A  }
0x26: {  	[smem:$0x3F9D] =	sst s1;
	(tag) =	ssettag s2;
	_ =	strace s9  }
0x27: {  	s1 =	sld [smem:$0x3FAD]  }
0x28: {  	s2 =	sld [smem:$0x3FAE]  }
0x29: {  	s4 =	sld [smem:$0x3FB0]  }
0x2a: {  	p0 =	seq.s32 s5, $0x0;
	s5 =	sld [smem:$0x3FB1]  }
0x2b: {  	s6 =	sld [smem:$0x3FB2]  }
0x2c: {  	s7 =	sld [smem:$0x3FB3]  }
0x2d: {  	s3 =	simm.s32 $0x108;
	s8 =	sld [smem:$0x3FB4]  }
0x2e: {  	s3 =	simm.s32 @!p0 $0x1082;
	s9 =	sld [smem:$0x3FB5]  }
0x2f: {  	lr =	sadd.s32 s0, s3;
	s0 =	sld [smem:$0x3FAC]  }
0x30: {  	s3 =	sld [smem:$0x3FAF]  }
0x31: {  	[smem:$0x3FB8] =	sst s10  }
0x32: {  	s10 =	sld [smem:$0x3FB6];
	_ =	sdelay $0x3  }
0x33: {  	p0 =	seq.s32 s10, $0x1;
	s10 =	sld [smem:$0x3FB8];
	_ =	sdelay $0x3  }
0x34: {  	[smem:$0x3FB8] =	sst s10  }
0x35: {  	s10 =	sld [smem:$0x3FB7];
	_ =	sdelay $0x3  }
0x36: {  	p1 =	seq.s32 s10, $0x1;
	s10 =	sld [smem:$0x3FB8];
	_ =	sdelay $0x3  }
0x37: {  	[smem:$0x3FB8] =	sst s10  }
0x38: {  	s10 =	sld [smem:$0x3FB9]  }
0x39: {  	_ = 	snop;
	(pc) =	sbr.ind lr, $3  }
0x3a: {  	_ = 	snop  }
0x3b: {  	_ = 	snop  }
0x3c: {  	p2 =	seq.s32 s10, $0x1;
	s10 =	sld [smem:$0x3FB8]  }
0x3d: {  	_ =	shalt  }
0x3e: {  	_ =	shalt  }
0x3f: {  	_ =	shalt  }
0x40: {  	_ =	shalt  }
0x41: {  	_ =	shalt  }
0x42: {  	_ =	shalt  }
0x43: {  	_ =	shalt  }
0x44: {  	_ =	shalt  }
0x45: {  	_ =	shalt  }
0x46: {  	_ =	shalt  }
0x47: {  	_ =	shalt  }
0x48: {  	_ =	shalt  }
0x49: {  	_ =	shalt  }
0x4a: {  	_ =	shalt  }
0x4b: {  	_ =	shalt  }
0x4c: {  	_ =	shalt  }
0x4d: {  	_ =	shalt  }
0x4e: {  	_ =	shalt  }
0x4f: {  	_ =	shalt  }
0x50: {  	_ =	shalt  }
0x51: {  	_ =	shalt  }
0x52: {  	_ =	shalt  }
0x53: {  	_ =	shalt  }
0x54: {  	_ =	shalt  }
0x55: {  	_ =	shalt  }
0x56: {  	_ =	shalt  }
0x57: {  	_ =	shalt  }
0x58: {  	_ =	shalt  }
0x59: {  	_ =	shalt  }
0x5a: {  	_ =	shalt  }
0x5b: {  	_ =	shalt  }
0x5c: {  	_ =	shalt  }
0x5d: {  	_ =	shalt  }
0x5e: {  	_ =	shalt  }
0x5f: {  	_ =	shalt  }
0x60: {  	_ =	shalt  }
0x61: {  	_ =	shalt  }
0x62: {  	_ =	shalt  }
0x63: {  	_ =	shalt  }
0x64: {  	_ =	shalt  }
0x65: {  	_ =	shalt  }
0x66: {  	_ =	shalt  }
0x67: {  	_ =	shalt  }
0x68: {  	_ =	shalt  }
0x69: {  	_ =	shalt  }
0x6a: {  	_ =	shalt  }
0x6b: {  	_ =	shalt  }
0x6c: {  	_ =	shalt  }
0x6d: {  	_ =	shalt  }
0x6e: {  	_ =	shalt  }
0x6f: {  	_ =	shalt  }
0x70: {  	_ =	shalt  }
0x71: {  	_ =	shalt  }
0x72: {  	_ =	shalt  }
0x73: {  	_ =	shalt  }
0x74: {  	_ =	shalt  }
0x75: {  	_ =	shalt  }
0x76: {  	_ =	shalt  }
0x77: {  	_ =	shalt  }
0x78: {  	_ =	shalt  }
0x79: {  	_ =	shalt  }
0x7a: {  	_ =	shalt  }
0x7b: {  	_ =	shalt  }
0x7c: {  	_ =	shalt  }
0x7d: {  	_ =	shalt  }
0x7e: {  	_ =	shalt  }
0x7f: {  	_ =	shalt  }
0x80: {  	_ =	shalt  }
0x81: {  	_ =	shalt  }
0x82: {  	_ =	shalt  }
0x83: {  	_ =	shalt  }
0x84: {  	_ =	shalt  }
0x85: {  	_ =	shalt  }
0x86: {  	_ =	shalt  }
0x87: {  	_ =	shalt  }
.Lfunc_end0:
.L_simem_size_0:
called_computation_lowered:
.L_overlay_start_0:
0x88: {  	s2 =	sld [smem:$0x3FD9]  }
0x89: {  	s3 =	sld [smem:$0x3FFE];
	_ =	sdelay $0x1  }
0x8a: {  	s1 =	srdreg.scid  }
0x8b: {  	s0 =	sand.u32 $0x1, s1  }
0x8c: {  	s18 =	sshll.u32 s0, $0xA;
	s2 =	sadd.s32 s3, s2  }
0x8d: {  	s2 =	sadd.s32 s2, s18  }
0x8e: {  	[smem:$0x3FC4] =	sst s2  }
0x8f: {  	_ = 	snop  }
0x90: {  	s2 =	sld [smem:$0x3FC9]  }
0x91: {  	s19 =	sld [smem:$0x3FC8]  }
0x92: {  	s4 =	sld [smem:$0x3FC7]  }
0x93: {  	s5 =	sld [smem:$0x3FC6]  }
0x94: {  	s6 =	sld [smem:$0x3FD0];
	(tm) =	ssettm $0x1  }
0x95: {  	s7 =	sld [smem:$0x3FFB];
	_ =	sdelay $0x3  }
0x96: {  	_ =	strace s7  }
0x97: {  	s7 =	sld [smem:$0x3FFC];
	_ =	sdelay $0x3  }
0x98: {  	_ =	strace s7  }
0x99: {  	s7 =	sld [smem:$0x3FFD];
	_ =	sdelay $0x3  }
0x9a: {  	_ =	strace s7  }
0x9b: {  	_ =	strace $0x8FFFFFFF  }
0x9c: {  	s20 =	sld [smem:$0x3FDB];
	_ =	sdelay $0x1  }
0x9d: {  	s8 =	simm.s32 $_scs_section_size  }
0x9e: {  	s9 =	simm.s32 $_size__tile_overlayer_lowered;
	s10 =	simm.s32 $_tile_overlayer_lowered  }
0x9f: {  	s23 =	simm.s32 $0x1BFF;
	s22 =	sshll.u32 s10, $0x1;
	s7 =	sadd.s32 s8, s20  }
0xa0: {  	s11 =	simm.s32 $0x0;
	s21 =	sshll.u32 s9, $0x1;
	s9 =	sadd.s32 s22, s7  }
0xa1: {  	[timem:s11], [sflag:s23] =	dma.local [hbm:s9], s21  }
0xa2: {  	_ =	swait.ge [sflag:s23], s21  }
0xa3: {  	s8 =	ssub.s32 $0x0, s21;
	[sflag:s23] =	ssyncset.done $0x0  }
0xa4: {  	[sflag:s23] =	ssyncadd.s32 s8;
	_ =	sdelay $0x1  }
0xa5: {  	s24 =	simm.s32 $0x1B8B  }
0xa6: {  	_ =	swait.ge [sflag:s24], $0x1  }
0xa7: {  	[sflag:s24] =	ssyncset.done $0x0  }
0xa8: {  	s25 =	simm.s32 $0x1B8E;
	[sflag:s24] =	ssyncadd.s32 $0xFFFFFFFF  }
0xa9: {  	s26 =	simm.s32 $execute0_lowered;
	[smem:$0x3FD2] =	sst s25  }
0xaa: {  	s8 =	sshll.u32 s26, $0x1;
	_ =	strace $0x80000046;
	[dreg:$0x1] =	wrdreg $0xFFFFFFFF  }
0xab: {  	s28 =	simm.s32 $_size_execute0_lowered;
	s7 =	sadd.s32 s7, s8;
	[dreg:$0x0] =	wrdreg $0x0  }
0xac: {  	s8 =	sshll.u32 s28, $0x1;
	[dreg:$0x2] =	wrdreg s7  }
0xad: {  	[dreg:$0x3] =	wrdreg s8  }
0xae: {  	[dreg:$0x4] =	wrdreg $0xC0  }
0xaf: {  	_ =	task [dreg:s11], $0x5FFFF  }
0xb0: {  	[dreg:$0x1] =	wrdreg $0xFFFFFFFF  }
0xb1: {  	[dreg:$0x0] =	wrdreg $0x60  }
0xb2: {  	[dreg:$0x2] =	wrdreg s2  }
0xb3: {  	[dreg:$0x3] =	wrdreg s19  }
0xb4: {  	[dreg:$0x4] =	wrdreg s4  }
0xb5: {  	[dreg:$0x5] =	wrdreg s5  }
0xb6: {  	[dreg:$0x6] =	wrdreg s6  }
0xb7: {  	[dreg:$0x7] =	wrdreg $0x9  }
0xb8: {  	_ =	task.clear_ibuf [dreg:s11], $0x8FFFF;
	_ =	strace $0x90000046  }
0xb9: {  	s29 =	simm.s32 $0x9;
	_ =	strace $0x80000048  }
0xba: {  	_ =	swait.ge [sflag:s29], $0x1  }
0xbb: {  	[sflag:s29] =	ssyncadd.s32 $0xFFFFFFFF  }
0xbc: {  	_ =	strace $0x90000048  }
0xbd: {  	_ =	sfence  }
0xbe: {  	s30 =	sld [smem:$0x0];
	_ =	sdelay $0x2  }
0xbf: {  	s31 =	sshll.u32 s1, $0xD;
	s1 =	sshrl.u32 s1, $0x2  }
0xc0: {  	s3 =	sand.u32 $0x4000, s31;
	s1 =	sadd.s32 s1, s30  }
0xc1: {  	s0 =	sor.u32 s3, s0;
	s1 =	sshll.u32 s1, $0x11  }
0xc2: {  	s0 =	sor.u32 s1, s0  }
0xc3: {  	s0 =	sadd.s32 $0x8F2B, s0  }
0xc4: {  	[sflag:s0] =	ssyncadd.remote.s32 $0x1  }
0xc5: {  	_ =	sfence.sel $0xFFFF  }
0xc6: {  	[dreg:$0x0] =	wrdreg $0xFFFFFFFF;
	(pc) =	sbr.abs _section_cstart, $3  }
0xc7: {  	[dreg:$0x1] =	wrdreg $0xFFFFFFFF  }
0xc8: {  	_ =	task.clear_ibuf [dreg:s11], $0x2FFFF;
	_ =	strace $0x9FFFFFFF  }
0xc9: {  	(tm) =	ssettm $0x7FFFFFFF  }
tec
execute0_lowered:
.L_overlay_start_1:
0x0: {  	(tag) =	ssettag $0x1  }
0x1: {  	s2 =	rddreg [dreg:$0x0]  }
0x2: {  	s1 =	rddreg [dreg:$0x1]  }
0x3: {  	s9 =	rddreg [dreg:$0x2];
	s4 =	srdreg.scid  }
0x4: {  	s0 =	stileid.u32;
	s3 =	rddreg [dreg:$0x3]  }
0x5: {  	s10 =	rddreg [dreg:$0x4];
	s16 =	simm.s32 $0x80;
	s17 =	simm.s32 $0x100  }
0x6: {  	s18 =	simm.s32 $0x180;
	s19 =	simm.s32 $0x8200;
	s20 =	simm.s32 $0x1  }
0x7: {  	s28 =	simm.s32 $0x2;
	s29 =	simm.s32 $0x3;
	s30 =	simm.s32 $0x0  }
0x8: {  	s5 =	sand.u32 $0x1, s4;
	s21 =	sshll.u32 s0, $0x1;
	s4 =	simm.s32 $0x0  }
0x9: {  	p0 =	sgt.u32 s0, $0x1;
	s8 =	sor.u32 s5, s21;
	[smem:$0x7FF] =	sst s4  }
0xa: {  	s7 =	sshll.u32 s5, $0x6;
	s22 =	ssub.s32 $0x2, s5;
	s21 =	simm.s32 $0x40  }
0xb: {  	s6 =	sshll.u32 s8, $0x8;
	_ =	strace $0x80000047;
	s25 =	sshrl.u32 s22, $0x1  }
0xc: {  	s26 =	sshll.u32 s8, $0xA;
	s13 =	smul.u32 $0x8080, s8;
	s11 =	sand.u32 $0x1E00, s6  }
0xd: {  	s6 =	sor.u32 s7, s6;
	s15 =	ssub.s32 s22, s25;
	s9 =	sadd.s32 s9, s26  }
0xe: {  	s31 =	sadd.s32 s26, s10;
	s22 =	simm.s32 $0x200;
	s25 =	simm.s32 $0x6200  }
0xf: {  	s26 =	simm.s32 $0x4;
	s11 =	sor.u32 s7, s11;
	s24 =	sshrl.u32 s6, $0x3  }
0x10: {  	s10 =	sadd.s32 s10, s13;
	s13 =	sadd.s32 $0x10180, s31;
	s14 =	sadd.s32 $0x18200, s31  }
0x11: {  	s15 =	smax.u32 s15, $0x1;
	s23 =	sshrl.u32 s11, $0x3;
	s12 =	sor.u32 $0x20, s24  }
0x12: {  	s11 =	sor.u32 $0x30, s24;
	s24 =	simm.s32 $0x4200;
	s5 =	sadd.s32 s2, s23  }
0x13: {  	s7 =	sadd.s32 s2, s12;
	s8 =	sadd.s32 s2, s11;
	s11 =	sadd.s32 $0x80, s31  }
0x14: {  	s12 =	sadd.s32 $0x8100, s31;
	s23 =	simm.s32 $0x2200;
	s6 =	sadd.s32 $0x10, s5  }
.LBB2_1:
0x15: {  	[tilespmem:s4], [sflag:$0x1] =	stream.linear.gather [hbm4b:s5+s4], $0x40, $0x38;
	[tilespmem:$0xA600] =	vst v63  }
0x16: {  	_ = 	snop  }
0x17: {  	[tilespmem:s16], [sflag:$0x1] =	stream.linear.gather [hbm4b:s6+s4], $0x40, $0x38;
	[tilespmem:$0xA600] =	vst v63  }
0x18: {  	_ = 	snop  }
0x19: {  	[tilespmem:s17], [sflag:$0x1] =	stream.linear.gather [hbm4b:s7+s4], $0x40, $0x38;
	[tilespmem:$0xA600] =	vst v63  }
0x1a: {  	_ = 	snop  }
0x1b: {  	[tilespmem:s18], [sflag:$0x1] =	stream.linear.gather [hbm4b:s8+s4], $0x40, $0x38;
	[tilespmem:$0xA600] =	vst v63  }
0x1c: {  	_ = 	snop  }
0x1d: {  	[tilespmem:s19], [sflag:$0x4] =	stream.linear.gather [hbm4b:s9+s4], $0x2000, $0x38;
	[tilespmem:$0xA600] =	vst v63  }
0x1e: {  	s2 =	simm.s32 @!p0 $0x0;
	s31 =	simm.s32 @!p0 $0xA200;
	s0 =	simm.s32 @!p0 $0x5  }
0x1f: {  	[tilespmem:s31], [sflag:$0x5] =	stream.linear.gather @!p0 [hbm4b:s3+s2], $0x400, $0x38;
	[tilespmem:$0xA600] =	vst v63  }
0x20: {  	_ =	swait.ge @!p0 [sflag:s0], $0x400  }
0x21: {  	[sflag:s0] =	ssyncset.done @!p0 $0x0  }
0x22: {  	[sflag:s0] =	ssyncadd.s32 @!p0 $0xFFFFFC00  }
0x23: {  	_ =	swait.ge [sflag:s20], $0x40  }
0x24: {  	[sflag:s20] =	ssyncset.done $0x0  }
0x25: {  	[sflag:s20] =	ssyncadd.s32 $0xFFFFFFC0  }
0x26: {  	_ =	swait.ge [sflag:s20], $0x40  }
0x27: {  	[sflag:s20] =	ssyncset.done $0x0  }
0x28: {  	[sflag:s20] =	ssyncadd.s32 $0xFFFFFFC0  }
0x29: {  	_ =	swait.ge [sflag:s20], $0x40  }
0x2a: {  	[sflag:s20] =	ssyncset.done $0x0  }
0x2b: {  	[sflag:s20] =	ssyncadd.s32 $0xFFFFFFC0  }
0x2c: {  	_ =	swait.ge [sflag:s20], $0x40  }
0x2d: {  	[sflag:s20] =	ssyncset.done $0x0  }
0x2e: {  	[sflag:s20] =	ssyncadd.s32 $0xFFFFFFC0  }
0x2f: {  	[tilespmem:s22], [sflag:$0x2] =	stream.indirect.gather [hbm4b:s1+s21], $0x80, s4, s21, $0xb8;
	[tilespmem:$0xA600] =	vst v63  }
0x30: {  	_ = 	snop  }
0x31: {  	[tilespmem:s23], [sflag:$0x2] =	stream.indirect.gather [hbm4b:s1+s21], $0x80, s16, s21, $0xb8;
	[tilespmem:$0xA600] =	vst v63  }
0x32: {  	_ = 	snop  }
0x33: {  	[tilespmem:s24], [sflag:$0x2] =	stream.indirect.gather [hbm4b:s1+s21], $0x80, s17, s21, $0xb8;
	[tilespmem:$0xA600] =	vst v63  }
0x34: {  	_ = 	snop  }
0x35: {  	[tilespmem:s25], [sflag:$0x2] =	stream.indirect.gather [hbm4b:s1+s21], $0x80, s18, s21, $0xb8;
	[tilespmem:$0xA600] =	vst v63  }
0x36: {  	s0 =	simm.s32 @!p0 $0x3  }
0x37: {  	[hbm4b:s10+s2] =	stream.linear.scatter @!p0 [tilespmem:s31], [sflag:$0x3], $0x400, $0x38;
	[tilespmem:$0xA600] =	vst v63  }
0x38: {  	_ =	swait.ge @!p0 [sflag:s0], $0x400  }
0x39: {  	[sflag:s0] =	ssyncset.done @!p0 $0x0  }
0x3a: {  	[sflag:s0] =	ssyncadd.s32 @!p0 $0xFFFFFC00  }
0x3b: {  	_ =	swait.ge [sflag:s26], $0x2000  }
0x3c: {  	[sflag:s26] =	ssyncset.done $0x0  }
0x3d: {  	[sflag:s26] =	ssyncadd.s32 $0xFFFFE000  }
0x3e: {  	_ =	swait.ge [sflag:s28], $0x2000  }
0x3f: {  	[sflag:s28] =	ssyncset.done $0x0  }
0x40: {  	s31 =	simm.s32 $0x0;
	s2 =	simm.s32 $0x200;
	[sflag:s28] =	ssyncadd.s32 $0xFFFFE000  }
.LBB2_2:
0x41: {  	p1 =	sne.s32 s2, $0x7E00;
	v0 =	vld [tilespmem:s31+$0x8270]  }
0x42: {  	v1 =	vld [tilespmem:s31+$0x8200]  }
0x43: {  	v2 =	vld [tilespmem:s31+$0x8210]  }
0x44: {  	v3 =	vld [tilespmem:s31+$0x8220]  }
0x45: {  	v4 =	vld [tilespmem:s31+$0x8230]  }
0x46: {  	[tilespmem:s31+$0x270] =	vst.add.f32.msk $0xffff, v0  }
0x47: {  	v0 =	vld [tilespmem:s31+$0x8240]  }
0x48: {  	v5 =	vld [tilespmem:s31+$0x8250]  }
0x49: {  	v6 =	vld [tilespmem:s31+$0x8260]  }
0x4a: {  	[tilespmem:s31+$0x200] =	vst.add.f32.msk $0xffff, v1  }
0x4b: {  	[tilespmem:s31+$0x210] =	vst.add.f32.msk $0xffff, v2  }
.Ltmp0:
0x4c: {  	[tilespmem:s31+$0x220] =	vst.add.f32.msk $0xffff, v3;
	(pc) =	sbr.rel @p1 .LBB2_2-.Ltmp0, $4  }
0x4d: {  	[tilespmem:s31+$0x230] =	vst.add.f32.msk $0xffff, v4  }
0x4e: {  	[tilespmem:s31+$0x240] =	vst.add.f32.msk $0xffff, v0  }
0x4f: {  	[tilespmem:s31+$0x250] =	vst.add.f32.msk $0xffff, v5  }
0x50: {  	[tilespmem:s31+$0x260] =	vst.add.f32.msk $0xffff, v6;
	s31 =	sshra.s32 s2, $0x2;
	s2 =	sadd.s32 $0x200, s2  }
0x51: {  	v0 =	vld [tilespmem:s31+$0x8270]  }
0x52: {  	v1 =	vld [tilespmem:s31+$0x8200]  }
0x53: {  	v2 =	vld [tilespmem:s31+$0x8210]  }
0x54: {  	v3 =	vld [tilespmem:s31+$0x8220]  }
0x55: {  	v4 =	vld [tilespmem:s31+$0x8230]  }
0x56: {  	v63 =	vld [tilespmem:s31+$0x8240]  }
0x57: {  	v5 =	vld [tilespmem:s31+$0x8250]  }
0x58: {  	v6 =	vld [tilespmem:s31+$0x8260]  }
0x59: {  	[tilespmem:s31+$0x270] =	vst.add.f32.msk $0xffff, v0  }
0x5a: {  	[tilespmem:s31+$0x200] =	vst.add.f32.msk $0xffff, v1  }
0x5b: {  	[tilespmem:s31+$0x210] =	vst.add.f32.msk $0xffff, v2  }
0x5c: {  	[tilespmem:s31+$0x220] =	vst.add.f32.msk $0xffff, v3  }
0x5d: {  	[tilespmem:s31+$0x230] =	vst.add.f32.msk $0xffff, v4  }
0x5e: {  	[tilespmem:s31+$0x240] =	vst.add.f32.msk $0xffff, v63  }
0x5f: {  	[tilespmem:s31+$0x250] =	vst.add.f32.msk $0xffff, v5  }
0x60: {  	s0 =	simm.s32 $0x0;
	[tilespmem:s31+$0x260] =	vst.add.f32.msk $0xffff, v6  }
0x61: {  	[hbm4b:s11+s0] =	stream.linear.scatter [tilespmem:s22], [sflag:$0x3], $0x2000, $0x38;
	[tilespmem:$0xA600] =	vst v63  }
0x62: {  	_ =	swait.ge [sflag:s28], $0x2000  }
0x63: {  	[sflag:s28] =	ssyncset.done $0x0  }
0x64: {  	s2 =	simm.s32 $0x200;
	s31 =	simm.s32 $0x0;
	[sflag:s28] =	ssyncadd.s32 $0xFFFFE000  }
.LBB2_4:
0x65: {  	p1 =	sne.s32 s2, $0x7E00;
	v0 =	vld [tilespmem:s31+$0x8270]  }
0x66: {  	v1 =	vld [tilespmem:s31+$0x8200]  }
0x67: {  	v2 =	vld [tilespmem:s31+$0x8210]  }
0x68: {  	v3 =	vld [tilespmem:s31+$0x8220]  }
0x69: {  	v4 =	vld [tilespmem:s31+$0x8230]  }
0x6a: {  	[tilespmem:s31+$0x2270] =	vst.add.f32.msk $0xffff, v0  }
0x6b: {  	v0 =	vld [tilespmem:s31+$0x8240]  }
0x6c: {  	v5 =	vld [tilespmem:s31+$0x8250]  }
0x6d: {  	v6 =	vld [tilespmem:s31+$0x8260]  }
0x6e: {  	[tilespmem:s31+$0x2200] =	vst.add.f32.msk $0xffff, v1  }
0x6f: {  	[tilespmem:s31+$0x2210] =	vst.add.f32.msk $0xffff, v2  }
.Ltmp1:
0x70: {  	[tilespmem:s31+$0x2220] =	vst.add.f32.msk $0xffff, v3;
	(pc) =	sbr.rel @p1 .LBB2_4-.Ltmp1, $4  }
0x71: {  	[tilespmem:s31+$0x2230] =	vst.add.f32.msk $0xffff, v4  }
0x72: {  	[tilespmem:s31+$0x2240] =	vst.add.f32.msk $0xffff, v0  }
0x73: {  	[tilespmem:s31+$0x2250] =	vst.add.f32.msk $0xffff, v5  }
0x74: {  	[tilespmem:s31+$0x2260] =	vst.add.f32.msk $0xffff, v6;
	s31 =	sshra.s32 s2, $0x2;
	s2 =	sadd.s32 $0x200, s2  }
0x75: {  	v0 =	vld [tilespmem:s31+$0x8270]  }
0x76: {  	v1 =	vld [tilespmem:s31+$0x8200]  }
0x77: {  	v2 =	vld [tilespmem:s31+$0x8210]  }
0x78: {  	v3 =	vld [tilespmem:s31+$0x8220]  }
0x79: {  	v4 =	vld [tilespmem:s31+$0x8230]  }
0x7a: {  	v63 =	vld [tilespmem:s31+$0x8240]  }
0x7b: {  	v5 =	vld [tilespmem:s31+$0x8250]  }
0x7c: {  	v6 =	vld [tilespmem:s31+$0x8260]  }
0x7d: {  	[tilespmem:s31+$0x2270] =	vst.add.f32.msk $0xffff, v0  }
0x7e: {  	[tilespmem:s31+$0x2200] =	vst.add.f32.msk $0xffff, v1  }
0x7f: {  	[tilespmem:s31+$0x2210] =	vst.add.f32.msk $0xffff, v2  }
0x80: {  	[tilespmem:s31+$0x2220] =	vst.add.f32.msk $0xffff, v3  }
0x81: {  	[tilespmem:s31+$0x2230] =	vst.add.f32.msk $0xffff, v4  }
0x82: {  	[tilespmem:s31+$0x2240] =	vst.add.f32.msk $0xffff, v63  }
0x83: {  	[tilespmem:s31+$0x2250] =	vst.add.f32.msk $0xffff, v5  }
0x84: {  	s0 =	simm.s32 $0x0;
	[tilespmem:s31+$0x2260] =	vst.add.f32.msk $0xffff, v6  }
0x85: {  	[hbm4b:s12+s0] =	stream.linear.scatter [tilespmem:s23], [sflag:$0x3], $0x2000, $0x38;
	[tilespmem:$0xA600] =	vst v63  }
0x86: {  	_ =	swait.ge [sflag:s28], $0x2000  }
0x87: {  	[sflag:s28] =	ssyncset.done $0x0  }
0x88: {  	s2 =	simm.s32 $0x200;
	s31 =	simm.s32 $0x0;
	[sflag:s28] =	ssyncadd.s32 $0xFFFFE000  }
.LBB2_6:
0x89: {  	p1 =	sne.s32 s2, $0x7E00;
	v0 =	vld [tilespmem:s31+$0x8270]  }
0x8a: {  	v1 =	vld [tilespmem:s31+$0x8200]  }
0x8b: {  	v2 =	vld [tilespmem:s31+$0x8210]  }
0x8c: {  	v3 =	vld [tilespmem:s31+$0x8220]  }
0x8d: {  	v4 =	vld [tilespmem:s31+$0x8230]  }
0x8e: {  	[tilespmem:s31+$0x4270] =	vst.add.f32.msk $0xffff, v0  }
0x8f: {  	v0 =	vld [tilespmem:s31+$0x8240]  }
0x90: {  	v5 =	vld [tilespmem:s31+$0x8250]  }
0x91: {  	v6 =	vld [tilespmem:s31+$0x8260]  }
0x92: {  	[tilespmem:s31+$0x4200] =	vst.add.f32.msk $0xffff, v1  }
0x93: {  	[tilespmem:s31+$0x4210] =	vst.add.f32.msk $0xffff, v2  }
.Ltmp2:
0x94: {  	[tilespmem:s31+$0x4220] =	vst.add.f32.msk $0xffff, v3;
	(pc) =	sbr.rel @p1 .LBB2_6-.Ltmp2, $4  }
0x95: {  	[tilespmem:s31+$0x4230] =	vst.add.f32.msk $0xffff, v4  }
0x96: {  	[tilespmem:s31+$0x4240] =	vst.add.f32.msk $0xffff, v0  }
0x97: {  	[tilespmem:s31+$0x4250] =	vst.add.f32.msk $0xffff, v5  }
0x98: {  	[tilespmem:s31+$0x4260] =	vst.add.f32.msk $0xffff, v6;
	s31 =	sshra.s32 s2, $0x2;
	s2 =	sadd.s32 $0x200, s2  }
0x99: {  	v0 =	vld [tilespmem:s31+$0x8270]  }
0x9a: {  	v1 =	vld [tilespmem:s31+$0x8200]  }
0x9b: {  	v2 =	vld [tilespmem:s31+$0x8210]  }
0x9c: {  	v3 =	vld [tilespmem:s31+$0x8220]  }
0x9d: {  	v4 =	vld [tilespmem:s31+$0x8230]  }
0x9e: {  	v63 =	vld [tilespmem:s31+$0x8240]  }
0x9f: {  	v5 =	vld [tilespmem:s31+$0x8250]  }
0xa0: {  	v6 =	vld [tilespmem:s31+$0x8260]  }
0xa1: {  	[tilespmem:s31+$0x4270] =	vst.add.f32.msk $0xffff, v0  }
0xa2: {  	[tilespmem:s31+$0x4200] =	vst.add.f32.msk $0xffff, v1  }
0xa3: {  	[tilespmem:s31+$0x4210] =	vst.add.f32.msk $0xffff, v2  }
0xa4: {  	[tilespmem:s31+$0x4220] =	vst.add.f32.msk $0xffff, v3  }
0xa5: {  	[tilespmem:s31+$0x4230] =	vst.add.f32.msk $0xffff, v4  }
0xa6: {  	[tilespmem:s31+$0x4240] =	vst.add.f32.msk $0xffff, v63  }
0xa7: {  	[tilespmem:s31+$0x4250] =	vst.add.f32.msk $0xffff, v5  }
0xa8: {  	s0 =	simm.s32 $0x0;
	[tilespmem:s31+$0x4260] =	vst.add.f32.msk $0xffff, v6  }
0xa9: {  	[hbm4b:s13+s0] =	stream.linear.scatter [tilespmem:s24], [sflag:$0x3], $0x2000, $0x38;
	[tilespmem:$0xA600] =	vst v63  }
0xaa: {  	_ =	swait.ge [sflag:s28], $0x2000  }
0xab: {  	[sflag:s28] =	ssyncset.done $0x0  }
0xac: {  	s2 =	simm.s32 $0x200;
	s31 =	simm.s32 $0x0;
	[sflag:s28] =	ssyncadd.s32 $0xFFFFE000  }
.LBB2_8:
0xad: {  	p1 =	sne.s32 s2, $0x7E00;
	v0 =	vld [tilespmem:s31+$0x8270]  }
0xae: {  	v1 =	vld [tilespmem:s31+$0x8200]  }
0xaf: {  	v2 =	vld [tilespmem:s31+$0x8210]  }
0xb0: {  	v3 =	vld [tilespmem:s31+$0x8220]  }
0xb1: {  	v4 =	vld [tilespmem:s31+$0x8230]  }
0xb2: {  	[tilespmem:s31+$0x6270] =	vst.add.f32.msk $0xffff, v0  }
0xb3: {  	v0 =	vld [tilespmem:s31+$0x8240]  }
0xb4: {  	v5 =	vld [tilespmem:s31+$0x8250]  }
0xb5: {  	v6 =	vld [tilespmem:s31+$0x8260]  }
0xb6: {  	[tilespmem:s31+$0x6200] =	vst.add.f32.msk $0xffff, v1  }
0xb7: {  	[tilespmem:s31+$0x6210] =	vst.add.f32.msk $0xffff, v2  }
.Ltmp3:
0xb8: {  	[tilespmem:s31+$0x6220] =	vst.add.f32.msk $0xffff, v3;
	(pc) =	sbr.rel @p1 .LBB2_8-.Ltmp3, $4  }
0xb9: {  	[tilespmem:s31+$0x6230] =	vst.add.f32.msk $0xffff, v4  }
0xba: {  	[tilespmem:s31+$0x6240] =	vst.add.f32.msk $0xffff, v0  }
0xbb: {  	[tilespmem:s31+$0x6250] =	vst.add.f32.msk $0xffff, v5  }
0xbc: {  	[tilespmem:s31+$0x6260] =	vst.add.f32.msk $0xffff, v6;
	s31 =	sshra.s32 s2, $0x2;
	s2 =	sadd.s32 $0x200, s2  }
0xbd: {  	v0 =	vld [tilespmem:s31+$0x8270]  }
0xbe: {  	v1 =	vld [tilespmem:s31+$0x8200]  }
0xbf: {  	v2 =	vld [tilespmem:s31+$0x8210]  }
0xc0: {  	v3 =	vld [tilespmem:s31+$0x8220]  }
0xc1: {  	v4 =	vld [tilespmem:s31+$0x8230]  }
0xc2: {  	v63 =	vld [tilespmem:s31+$0x8240]  }
0xc3: {  	v5 =	vld [tilespmem:s31+$0x8250]  }
0xc4: {  	v6 =	vld [tilespmem:s31+$0x8260]  }
0xc5: {  	[tilespmem:s31+$0x6270] =	vst.add.f32.msk $0xffff, v0  }
0xc6: {  	[tilespmem:s31+$0x6200] =	vst.add.f32.msk $0xffff, v1  }
0xc7: {  	[tilespmem:s31+$0x6210] =	vst.add.f32.msk $0xffff, v2  }
0xc8: {  	[tilespmem:s31+$0x6220] =	vst.add.f32.msk $0xffff, v3  }
0xc9: {  	[tilespmem:s31+$0x6230] =	vst.add.f32.msk $0xffff, v4  }
0xca: {  	[tilespmem:s31+$0x6240] =	vst.add.f32.msk $0xffff, v63  }
0xcb: {  	[tilespmem:s31+$0x6250] =	vst.add.f32.msk $0xffff, v5  }
0xcc: {  	[tilespmem:s31+$0x6260] =	vst.add.f32.msk $0xffff, v6  }
0xcd: {  	[hbm4b:s14+s4] =	stream.linear.scatter [tilespmem:s25], [sflag:$0x3], $0x2000, $0x38;
	[tilespmem:$0xA600] =	vst v63  }
0xce: {  	_ =	swait.ge [sflag:s29], $0x2000  }
0xcf: {  	[sflag:s29] =	ssyncset.done $0x0  }
0xd0: {  	[sflag:s29] =	ssyncadd.s32 $0xFFFFE000  }
0xd1: {  	_ =	swait.ge [sflag:s29], $0x2000  }
0xd2: {  	[sflag:s29] =	ssyncset.done $0x0  }
0xd3: {  	s30 =	sadd.s32 $0x1, s30;
	[sflag:s29] =	ssyncadd.s32 $0xFFFFE000  }
0xd4: {  	p1 =	sne.s32 s30, s15;
	_ =	swait.ge [sflag:s29], $0x2000  }
.Ltmp4:
0xd5: {  	[sflag:s29] =	ssyncset.done $0x0;
	(pc) =	sbr.rel @p1 .LBB2_1-.Ltmp4, $4  }
0xd6: {  	[sflag:s29] =	ssyncadd.s32 $0xFFFFE000  }
0xd7: {  	_ =	swait.ge [sflag:s29], $0x2000  }
0xd8: {  	[sflag:s29] =	ssyncset.done $0x0  }
0xd9: {  	[sflag:s29] =	ssyncadd.s32 $0xFFFFE000  }
0xda: {  	_ =	sfence.sel $0x180000  }
0xdb: {  	[bflag:$0x0] =	sbarrier.arrive $0xFFFF  }
0xdc: {  	_ =	strace $0x90000047  }
0xdd: {  	s0 =	stileid.u32;
	[bflag:$0x2] =	sbarrier.arrive $0xFFFF  }
0xde: {  	p0 =	sne.s32 s0, $0x0;
	s0 =	rddreg [dreg:$0x5]  }
0xdf: {  	s0 =	sadd.s32 @!p0 $0x100000, s0  }
0xe0: {  	[sflag:s0] =	ssyncadd.tile.s32 @!p0 $0x1;
	_ =	shalt  }
.Lfunc_end2:
_tile_overlayer_lowered:
.L_overlay_start_2:
0xe1: {  	(tag) =	ssettag $0x2  }
0xe2: {  	s0 =	rddreg [dreg:$0x0];
	s2 =	stileid.u32  }
0xe3: {  	s1 =	rddreg [dreg:$0x1];
	p0 =	sne.s32 s2, $0x0  }
0xe4: {  	s3 =	rddreg [dreg:$0x2];
	[bflag:$0x3] =	sbarrier.arrive $0xFFFF;
	s2 =	simm.s32 @!p0 $0x1C06  }
0xe5: {  	[timem:s3], [sflag:s2] =	dma.local @!p0 [hbm:s0], s1  }
0xe6: {  	s0 =	simm.s32 @!p0 $0x6  }
0xe7: {  	_ =	swait.ge @!p0 [sflag:s0], s1  }
0xe8: {  	s1 =	ssub.s32 @!p0 $0x0, s1;
	[sflag:s0] =	ssyncset.done @!p0 $0x0  }
0xe9: {  	[sflag:s0] =	ssyncadd.s32 @!p0 s1  }
0xea: {  	[bflag:$0x3] =	sbarrier.arrive $0xFFFF  }
0xeb: {  	_ =	shalt  }

</sc_bundles>
